<compile_context>
chip_gen: v7x
topology: tpu7x:2x2x1
jax: 0.10.2.dev20260603
libtpu: 0.0.44.dev20260713+nightly
codegen_flags: <defaults>
</compile_context>

<pallas_src>
import functools

import jax
import jax.numpy as jnp
from jax.experimental import pallas as pl
from jax.experimental.pallas import tpu as pltpu

_N = 10000
_H = 128
_OUT = 256
_DEPTH = 8
_SLOPE = 0.01

_BM = 256
_BK = 2048
_NP = 10240
_NBM = _NP // _BM
_NBK = _NP // _BK
_BKW = 512


def _stack_body(adj_ref, w_ref, b_ref, dinv_ref, x_in_ref, y_in_ref,
                wh_ref, bh_ref, o_ref, xs_ref, ya_ref, yb_ref, hacc_ref):
    l = pl.program_id(0)
    i = pl.program_id(1)

    @pl.when((l == 0) & (i == 0))
    def _():
        xs_ref[...] = x_in_ref[...]
        ya_ref[...] = y_in_ref[...]
        hacc_ref[...] = jnp.zeros_like(hacc_ref)

    def run_layer(yin_ref, yout_ref):
        t = jax.lax.dot_general(
            adj_ref[...], yin_ref[...], (((1,), (0,)), ((), ())),
            preferred_element_type=jnp.float32)
        u = jnp.dot(t, w_ref[0], preferred_element_type=jnp.float32)
        dv = dinv_ref[0, 0, :][:, None]
        z = dv * u + b_ref[0]
        z = jnp.where(z >= 0, z, _SLOPE * z)
        xo = xs_ref[pl.ds(i * _BM, _BM), :] + z
        xs_ref[pl.ds(i * _BM, _BM), :] = xo
        yout_ref[pl.ds(i * _BM, _BM), :] = (dv * xo).astype(jnp.bfloat16)

        @pl.when(l == _DEPTH - 1)
        def _():
            rid = i * _BM + jax.lax.broadcasted_iota(jnp.int32, (_BM, _H), 0)
            xm = jnp.where(rid < _N, xo, 0.0)
            hacc_ref[...] += jnp.sum(xm.reshape(_BM // 8, 8, _H), axis=0)

    @pl.when(l % 2 == 0)
    def _():
        run_layer(ya_ref, yb_ref)

    @pl.when(l % 2 == 1)
    def _():
        run_layer(yb_ref, ya_ref)

    @pl.when((l == _DEPTH - 1) & (i == _NBM - 1))
    def _():
        pooled = jnp.sum(hacc_ref[...], axis=0, keepdims=True) * (1.0 / _N)
        o_ref[...] = (jnp.dot(pooled, wh_ref[...],
                              preferred_element_type=jnp.float32)
                      + bh_ref[...])


_stack_call = pl.pallas_call(
    _stack_body,
    grid=(_DEPTH, _NBM),
    in_specs=[
        pl.BlockSpec((_BM, _NP), lambda l, i: (i, 0)),
        pl.BlockSpec((1, _H, _H), lambda l, i: (l, 0, 0)),
        pl.BlockSpec((1, 1, _H), lambda l, i: (l, 0, 0)),
        pl.BlockSpec((1, 1, _BM), lambda l, i: (i, 0, 0)),
        pl.BlockSpec((_NP, _H), lambda l, i: (0, 0)),
        pl.BlockSpec((_NP, _H), lambda l, i: (0, 0)),
        pl.BlockSpec((_H, _OUT), lambda l, i: (0, 0)),
        pl.BlockSpec((1, _OUT), lambda l, i: (0, 0)),
    ],
    out_specs=pl.BlockSpec((1, _OUT), lambda l, i: (0, 0)),
    out_shape=jax.ShapeDtypeStruct((1, _OUT), jnp.float32),
    scratch_shapes=[
        pltpu.VMEM((_NP, _H), jnp.float32),
        pltpu.VMEM((_NP, _H), jnp.bfloat16),
        pltpu.VMEM((_NP, _H), jnp.bfloat16),
        pltpu.VMEM((8, _H), jnp.float32),
    ],
    compiler_params=pltpu.CompilerParams(
        dimension_semantics=("arbitrary", "arbitrary")),
)


def _epilogue(acc_ref, x_ref, dinv_ref, w_ref, b_ref, xo_ref, yhi_o_ref):
    t = acc_ref[...]
    u = jnp.dot(t, w_ref[...], preferred_element_type=jnp.float32)
    dv = dinv_ref[0, 0, :][:, None]
    z = dv * u + b_ref[...]
    z = jnp.where(z >= 0, z, _SLOPE * z)
    xo = x_ref[...] + z
    xo_ref[...] = xo
    yhi_o_ref[...] = (dv * xo).astype(jnp.bfloat16)


def _layer0_body(adjw_ref, yhi_ref, x_ref, dinv_ref, w_ref, b_ref,
                 xo_ref, yhi_o_ref, abf_o_ref, acc_ref):
    p = pl.program_id(1)

    @pl.when(p == 0)
    def _():
        acc_ref[...] = jnp.zeros_like(acc_ref)

    w = adjw_ref[...]
    plane = jnp.bitwise_and(jnp.right_shift(w, 4 * p), 15)
    a = plane.astype(jnp.bfloat16)
    abf_o_ref[...] = a.astype(jnp.float8_e4m3fn)
    yhi = yhi_ref[pl.ds(p * (_NP // 8), _NP // 8), :]
    acc_ref[...] += jnp.dot(a, yhi, preferred_element_type=jnp.float32)

    @pl.when(p == pl.num_programs(1) - 1)
    def _():
        _epilogue(acc_ref, x_ref, dinv_ref, w_ref, b_ref,
                  xo_ref, yhi_o_ref)


_layer0_call = pl.pallas_call(
    _layer0_body,
    grid=(_NBM, 8),
    in_specs=[
        pl.BlockSpec((_BM, _NP // 8), lambda i, p: (i, 0)),
        pl.BlockSpec((_NP, _H), lambda i, p: (0, 0)),
        pl.BlockSpec((_BM, _H), lambda i, p: (i, 0)),
        pl.BlockSpec((1, 1, _BM), lambda i, p: (i, 0, 0)),
        pl.BlockSpec((_H, _H), lambda i, p: (0, 0)),
        pl.BlockSpec((1, _H), lambda i, p: (0, 0)),
    ],
    out_specs=[
        pl.BlockSpec((_BM, _H), lambda i, p: (i, 0)),
        pl.BlockSpec((_BM, _H), lambda i, p: (i, 0)),
        pl.BlockSpec((_BM, _NP // 8), lambda i, p: (i, p)),
    ],
    out_shape=[
        jax.ShapeDtypeStruct((_NP, _H), jnp.float32),
        jax.ShapeDtypeStruct((_NP, _H), jnp.bfloat16),
        jax.ShapeDtypeStruct((_NP, _NP), jnp.float8_e4m3fn),
    ],
    scratch_shapes=[pltpu.VMEM((_BM, _H), jnp.float32)],
    compiler_params=pltpu.CompilerParams(
        dimension_semantics=("parallel", "arbitrary")),
)


def kernel(sst, edge_index, W1, b1, Ws, bs, Wh, bh):
    loop = jnp.arange(_N, dtype=edge_index.dtype)
    src = jnp.concatenate([edge_index[0], loop])
    dst = jnp.concatenate([edge_index[1], loop])

    deg = jnp.zeros((_N,), jnp.float32).at[dst].add(1.0)
    dinv = 1.0 / jnp.sqrt(deg)
    dinv_p = jnp.zeros((_NP,), jnp.float32).at[:_N].set(dinv)

    npw = _NP // 8
    word = dst * npw + src % npw
    val = jnp.left_shift(jnp.int32(1), 4 * (src // npw))
    adjw = (jnp.zeros((_NP * npw,), jnp.int32).at[word].add(val)
            .reshape(_NP, npw))

    x0 = jnp.zeros((_NP,), jnp.float32).at[:_N].set(sst.reshape(-1))
    xb = jnp.broadcast_to(x0[:, None], (_NP, _H))
    y0 = (dinv_p * x0)[:, None]
    yb = jnp.broadcast_to(y0, (_NP, _H))
    yhi = yb.astype(jnp.bfloat16)

    dinv3 = dinv_p.reshape(_NBM, 1, _BM)

    w0 = jnp.zeros((_H, _H), jnp.float32).at[0, :].set(W1[0])
    x, yhi, adj_bf = _layer0_call(adjw, yhi, xb, dinv3, w0, b1[None, :])
    return _stack_call(adj_bf, Ws, bs.reshape(_DEPTH, 1, _H), dinv3, x, yhi,
                       Wh, bh[None, :])

# --- scband reference (transcript-rebuilt; emitter-appended) ---
"""Pipeline reference for scband-gcn-42898133353087 (READ-ONLY COPY).

The authoritative reference and input builder live on the scoring server;
editing this copy changes nothing except your own understanding.
"""

import jax, jax.numpy as jnp
import numpy as np

N_NODES = 10000
N_EDGES = 320000
HIDDEN = 128
OUT = 256
DEPTH = 8
NEG_SLOPE = 0.01


def setup_inputs(seed: int = 0) -> dict:
    key = jax.random.key(seed)
    ks = jax.random.split(key, 8)
    sst = jax.random.normal(ks[0], (1, N_NODES), dtype=jnp.float32)
    edge_index = jax.random.randint(ks[1], (2, N_EDGES), 0, N_NODES, dtype=jnp.int32)
    W1 = jax.random.normal(ks[2], (1, HIDDEN), dtype=jnp.float32) * 1.0
    b1 = jnp.zeros((HIDDEN,), dtype=jnp.float32)
    Ws = jax.random.normal(ks[3], (DEPTH, HIDDEN, HIDDEN), dtype=jnp.float32) * (1.0 / np.sqrt(HIDDEN))
    bs = jnp.zeros((DEPTH, HIDDEN), dtype=jnp.float32)
    # NOTE: original zero-inits the head; we use small random values so output is nontrivial
    Wh = jax.random.normal(ks[4], (HIDDEN, OUT), dtype=jnp.float32) * 0.02
    bh = jnp.zeros((OUT,), dtype=jnp.float32)
    return {"sst": sst, "edge_index": edge_index, "W1": W1, "b1": b1, "Ws": Ws, "bs": bs, "Wh": Wh, "bh": bh}


def _gcn_norm(edge_index, num_nodes):
    # PyG GCNConv: add self-loops, symmetric normalization D^-1/2 A_hat D^-1/2
    loop = jnp.arange(num_nodes, dtype=edge_index.dtype)
    src = jnp.concatenate([edge_index[0], loop])
    dst = jnp.concatenate([edge_index[1], loop])
    deg = jnp.zeros((num_nodes,), dtype=jnp.float32).at[dst].add(1.0)
    dinv = jnp.where(deg > 0, 1.0 / jnp.sqrt(deg), 0.0)
    norm = dinv[src] * dinv[dst]
    return src, dst, norm


def _gcn_conv(x, W, b, src, dst, norm, num_nodes):
    h = x @ W
    msg = h[src] * norm[:, None]
    out = jnp.zeros((num_nodes, W.shape[1]), dtype=h.dtype).at[dst].add(msg)
    return out + b


def reference(sst, edge_index, W1, b1, Ws, bs, Wh, bh):
    src, dst, norm = _gcn_norm(edge_index, N_NODES)
    # nan_mask is all-True here: x = sst[mask][None].T -> [N, 1]
    x = sst.reshape(-1)[:, None]
    x = x + jax.nn.leaky_relu(_gcn_conv(x, W1, b1, src, dst, norm, N_NODES), NEG_SLOPE)
    for i in range(DEPTH):
        x = x + jax.nn.leaky_relu(_gcn_conv(x, Ws[i], bs[i], src, dst, norm, N_NODES), NEG_SLOPE)
    # global_mean_pool with batch_size=1 (all nodes in segment 0)
    batch = jnp.zeros((N_NODES,), dtype=jnp.int32)
    summed = jax.ops.segment_sum(x, batch, num_segments=1)
    counts = jax.ops.segment_sum(jnp.ones((N_NODES,), dtype=jnp.float32), batch, num_segments=1)
    pooled = summed / counts[:, None]
    return pooled @ Wh + bh

if __name__ == "__main__":
    import jax
    _d = setup_inputs()
    print(jax.jit(kernel)(*tuple(_d.values())))

</pallas_src>

<mosaic_0001>
module attributes {stable_mosaic.version = 14 : i64} {
  func.func @_layer0_body(%arg0: i32, %arg1: i32, %arg2: memref<256x1280xi32, #tpu.memory_space<vmem>>, %arg3: memref<10240x128xbf16, #tpu.memory_space<vmem>>, %arg4: memref<256x128xf32, #tpu.memory_space<vmem>>, %arg5: memref<1x1x256xf32, #tpu.memory_space<vmem>>, %arg6: memref<128x128xf32, #tpu.memory_space<vmem>>, %arg7: memref<1x128xf32, #tpu.memory_space<vmem>>, %arg8: memref<256x128xf32, #tpu.memory_space<vmem>>, %arg9: memref<256x128xbf16, #tpu.memory_space<vmem>>, %arg10: memref<256x1280xf8E4M3FN, #tpu.memory_space<vmem>>, %arg11: memref<256x128xf32, #tpu.memory_space<vmem>>) attributes {dimension_semantics = [#tpu.dimension_semantics<parallel>, #tpu.dimension_semantics<arbitrary>], iteration_bounds = array<i64: 40, 8>, scalar_prefetch = 0 : i64, scratch_operands = 1 : i64, tpu.core_type = #tpu.core_type<tc>, window_params = [{transform_indices = @transform_0, window_bounds = array<i64: 256, 1280>}, {pipeline_mode = #tpu.pipeline_mode<synchronous>, transform_indices = @transform_1, window_bounds = array<i64: 10240, 128>}, {transform_indices = @transform_2, window_bounds = array<i64: 256, 128>}, {transform_indices = @transform_3, window_bounds = array<i64: 1, 1, 256>}, {pipeline_mode = #tpu.pipeline_mode<synchronous>, transform_indices = @transform_4, window_bounds = array<i64: 128, 128>}, {pipeline_mode = #tpu.pipeline_mode<synchronous>, transform_indices = @transform_5, window_bounds = array<i64: 1, 128>}, {transform_indices = @transform_6, window_bounds = array<i64: 256, 128>}, {transform_indices = @transform_7, window_bounds = array<i64: 256, 128>}, {transform_indices = @transform_8, window_bounds = array<i64: 256, 1280>}]} {
    %eq3A = arith.constant 0 : i32
    %eq3A_0 = arith.cmpi eq, %arg1, %eq3A : i32
    %convert_element_type3A = arith.extui %eq3A_0 : i1 to i32
    %cond3A = arith.constant 0 : i32
    %cond3A_1 = arith.cmpi ne, %convert_element_type3A, %cond3A : i32
    scf.if %cond3A_1 {
      %broadcast_in_dim3A = arith.constant 0.000000e+00 : f32
      %broadcast_in_dim3A_29 = vector.broadcast %broadcast_in_dim3A : f32 to vector<256x128xf32>
      %swap3A_30 = arith.constant 0 : index
      %swap3A_31 = arith.constant 0 : index
      %swap3A_32 = vector.load %arg11[%swap3A_30, %swap3A_31] : memref<256x128xf32, #tpu.memory_space<vmem>>, vector<256x128xf32>
      tpu.vector_store %arg11[%swap3A_30, %swap3A_31], %broadcast_in_dim3A_29 {strides = array<i32>} : memref<256x128xf32, #tpu.memory_space<vmem>>, vector<256x128xf32>,
    } else {
    }
    %get3A = arith.constant 0 : index
    %get3A_2 = arith.constant 0 : index
    %get3A_3 = vector.load %arg2[%get3A, %get3A_2] : memref<256x1280xi32, #tpu.memory_space<vmem>>, vector<256x1280xi32>
    %mul3A = arith.constant 4 : i32
    %mul3A_4 = arith.muli %mul3A, %arg1 : i32
    %shift_right_arithmetic3A = vector.broadcast %mul3A_4 : i32 to vector<256x1280xi32>
    %shift_right_arithmetic3A_5 = arith.shrsi %get3A_3, %shift_right_arithmetic3A : vector<256x1280xi32>
    %and3A = arith.constant 15 : i32
    %and3A_6 = vector.broadcast %and3A : i32 to vector<256x1280xi32>
    %and3A_7 = arith.andi %shift_right_arithmetic3A_5, %and3A_6 : vector<256x1280xi32>
    %convert_element_type3A_8 = arith.sitofp %and3A_7 : vector<256x1280xi32> to vector<256x1280xbf16>
    %convert_element_type3A_9 = arith.truncf %convert_element_type3A_8 : vector<256x1280xbf16> to vector<256x1280xf8E4M3FN>
    %swap3A = arith.constant 0 : index
    %swap3A_10 = arith.constant 0 : index
    %swap3A_11 = vector.load %arg10[%swap3A, %swap3A_10] : memref<256x1280xf8E4M3FN, #tpu.memory_space<vmem>>, vector<256x1280xf8E4M3FN>
    tpu.vector_store %arg10[%swap3A, %swap3A_10], %convert_element_type3A_9 {strides = array<i32>} : memref<256x1280xf8E4M3FN, #tpu.memory_space<vmem>>, vector<256x1280xf8E4M3FN>,
    %mul3A_12 = arith.constant 1280 : i32
    %mul3A_13 = arith.muli %arg1, %mul3A_12 : i32
    %get3A_14 = arith.index_cast %mul3A_13 : i32 to index
    %get3A_15 = arith.constant 0 : index
    %get3A_16 = vector.load %arg3[%get3A_14, %get3A_15] : memref<10240x128xbf16, #tpu.memory_space<vmem>>, vector<1280x128xbf16>
    %get3A_17 = arith.constant 0 : index
    %get3A_18 = arith.constant 0 : index
    %get3A_19 = vector.load %arg11[%get3A_17, %get3A_18] : memref<256x128xf32, #tpu.memory_space<vmem>>, vector<256x128xf32>
    %dot_general3A = arith.constant dense<0.000000e+00> : vector<256x128xf32>
    %dot_general3A_20 = tpu.matmul %convert_element_type3A_8, %get3A_16, %dot_general3A {dimension_numbers = #tpu.dot_dimension_numbers<[1], [0], [0], [1], [0, 0, 1, 1], [], []>, transpose_lhs_hint = false} : vector<256x1280xbf16>, vector<1280x128xbf16>, vector<256x128xf32> -> vector<256x128xf32>
    %add3A = arith.addf %get3A_19, %dot_general3A_20 : vector<256x128xf32>
    %swap3A_21 = arith.constant 0 : index
    %swap3A_22 = arith.constant 0 : index
    %swap3A_23 = vector.load %arg11[%swap3A_21, %swap3A_22] : memref<256x128xf32, #tpu.memory_space<vmem>>, vector<256x128xf32>
    tpu.vector_store %arg11[%swap3A_21, %swap3A_22], %add3A {strides = array<i32>} : memref<256x128xf32, #tpu.memory_space<vmem>>, vector<256x128xf32>,
    %eq3A_24 = arith.constant 7 : i32
    %eq3A_25 = arith.cmpi eq, %arg1, %eq3A_24 : i32
    %convert_element_type3A_26 = arith.extui %eq3A_25 : i1 to i32
    %cond3A_27 = arith.constant 0 : i32
    %cond3A_28 = arith.cmpi ne, %convert_element_type3A_26, %cond3A_27 : i32
    scf.if %cond3A_28 {
      %get3A_29 = arith.constant 0 : index
      %get3A_30 = arith.constant 0 : index
      %get3A_31 = vector.load %arg11[%get3A_29, %get3A_30] : memref<256x128xf32, #tpu.memory_space<vmem>>, vector<256x128xf32>
      %get3A_32 = arith.constant 0 : index
      %get3A_33 = arith.constant 0 : index
      %get3A_34 = vector.load %arg6[%get3A_32, %get3A_33] : memref<128x128xf32, #tpu.memory_space<vmem>>, vector<128x128xf32>
      %dot_general3A_35 = arith.constant dense<0.000000e+00> : vector<256x128xf32>
      %dot_general3A_36 = tpu.matmul %get3A_31, %get3A_34, %dot_general3A_35 {dimension_numbers = #tpu.dot_dimension_numbers<[1], [0], [0], [1], [0, 0, 1, 1], [], []>, transpose_lhs_hint = false} : vector<256x128xf32>, vector<128x128xf32>, vector<256x128xf32> -> vector<256x128xf32>
      %get3A_37 = arith.constant 0 : index
      %get3A_38 = arith.constant 0 : index
      %get3A_39 = arith.constant 0 : index
      %get3A_40 = vector.load %arg5[%get3A_37, %get3A_38, %get3A_39] : memref<1x1x256xf32, #tpu.memory_space<vmem>>, vector<1x1x256xf32>
      %get3A_41 = vector.shape_cast %get3A_40 : vector<1x1x256xf32> to vector<256xf32>
      %broadcast_in_dim3A = vector.shape_cast %get3A_41 : vector<256xf32> to vector<256x1xf32>
      %mul3A_42 = vector.broadcast %broadcast_in_dim3A : vector<256x1xf32> to vector<256x128xf32>
      %mul3A_43 = arith.mulf %mul3A_42, %dot_general3A_36 : vector<256x128xf32>
      %get3A_44 = arith.constant 0 : index
      %get3A_45 = arith.constant 0 : index
      %get3A_46 = vector.load %arg7[%get3A_44, %get3A_45] : memref<1x128xf32, #tpu.memory_space<vmem>>, vector<1x128xf32>
      %add3A_47 = vector.broadcast %get3A_46 : vector<1x128xf32> to vector<256x128xf32>
      %add3A_48 = arith.addf %mul3A_43, %add3A_47 : vector<256x128xf32>
      %ge3A = arith.constant 0.000000e+00 : f32
      %ge3A_49 = vector.broadcast %ge3A : f32 to vector<256x128xf32>
      %ge3A_50 = arith.cmpf oge, %add3A_48, %ge3A_49 : vector<256x128xf32>
      %mul3A_51 = arith.constant 0.00999999977 : f32
      %mul3A_52 = vector.broadcast %mul3A_51 : f32 to vector<256x128xf32>
      %mul3A_53 = arith.mulf %mul3A_52, %add3A_48 : vector<256x128xf32>
      %select_n3A = arith.select %ge3A_50, %add3A_48, %mul3A_53 : vector<256x128xi1>, vector<256x128xf32>
      %get3A_54 = arith.constant 0 : index
      %get3A_55 = arith.constant 0 : index
      %get3A_56 = vector.load %arg4[%get3A_54, %get3A_55] : memref<256x128xf32, #tpu.memory_space<vmem>>, vector<256x128xf32>
      %add3A_57 = arith.addf %get3A_56, %select_n3A : vector<256x128xf32>
      %swap3A_58 = arith.constant 0 : index
      %swap3A_59 = arith.constant 0 : index
      %swap3A_60 = vector.load %arg8[%swap3A_58, %swap3A_59] : memref<256x128xf32, #tpu.memory_space<vmem>>, vector<256x128xf32>
      tpu.vector_store %arg8[%swap3A_58, %swap3A_59], %add3A_57 {strides = array<i32>} : memref<256x128xf32, #tpu.memory_space<vmem>>, vector<256x128xf32>,
      %mul3A_61 = vector.broadcast %broadcast_in_dim3A : vector<256x1xf32> to vector<256x128xf32>
      %mul3A_62 = arith.mulf %mul3A_61, %add3A_57 : vector<256x128xf32>
      %convert_element_type3A_63 = arith.truncf %mul3A_62 : vector<256x128xf32> to vector<256x128xbf16>
      %swap3A_64 = arith.constant 0 : index
      %swap3A_65 = arith.constant 0 : index
      %swap3A_66 = vector.load %arg9[%swap3A_64, %swap3A_65] : memref<256x128xbf16, #tpu.memory_space<vmem>>, vector<256x128xbf16>
      tpu.vector_store %arg9[%swap3A_64, %swap3A_65], %convert_element_type3A_63 {strides = array<i32>} : memref<256x128xbf16, #tpu.memory_space<vmem>>, vector<256x128xbf16>,
    } else {
    }
    return
  }
  func.func @transform_0(%arg0: i32, %arg1: i32) -> (i32, i32) {
    %c0_i32 = arith.constant 0 : i32
    %c0_i32_0 = arith.constant 0 : i32
    return %arg0, %c0_i32 : i32, i32
  }
  func.func @transform_1(%arg0: i32, %arg1: i32) -> (i32, i32) {
    %c0_i32 = arith.constant 0 : i32
    %c0_i32_0 = arith.constant 0 : i32
    %c0_i32_1 = arith.constant 0 : i32
    return %c0_i32, %c0_i32_0 : i32, i32
  }
  func.func @transform_2(%arg0: i32, %arg1: i32) -> (i32, i32) {
    %c0_i32 = arith.constant 0 : i32
    %c0_i32_0 = arith.constant 0 : i32
    return %arg0, %c0_i32 : i32, i32
  }
  func.func @transform_3(%arg0: i32, %arg1: i32) -> (i32, i32, i32) {
    %c0_i32 = arith.constant 0 : i32
    %c0_i32_0 = arith.constant 0 : i32
    %c0_i32_1 = arith.constant 0 : i32
    return %arg0, %c0_i32, %c0_i32_0 : i32, i32, i32
  }
  func.func @transform_4(%arg0: i32, %arg1: i32) -> (i32, i32) {
    %c0_i32 = arith.constant 0 : i32
    %c0_i32_0 = arith.constant 0 : i32
    %c0_i32_1 = arith.constant 0 : i32
    return %c0_i32, %c0_i32_0 : i32, i32
  }
  func.func @transform_5(%arg0: i32, %arg1: i32) -> (i32, i32) {
    %c0_i32 = arith.constant 0 : i32
    %c0_i32_0 = arith.constant 0 : i32
    %c0_i32_1 = arith.constant 0 : i32
    return %c0_i32, %c0_i32_0 : i32, i32
  }
  func.func @transform_6(%arg0: i32, %arg1: i32) -> (i32, i32) {
    %c0_i32 = arith.constant 0 : i32
    %c0_i32_0 = arith.constant 0 : i32
    return %arg0, %c0_i32 : i32, i32
  }
  func.func @transform_7(%arg0: i32, %arg1: i32) -> (i32, i32) {
    %c0_i32 = arith.constant 0 : i32
    %c0_i32_0 = arith.constant 0 : i32
    return %arg0, %c0_i32 : i32, i32
  }
  func.func @transform_8(%arg0: i32, %arg1: i32) -> (i32, i32) {
    %c0_i32 = arith.constant 0 : i32
    return %arg0, %arg1 : i32, i32
  }
}

module attributes {stable_mosaic.version = 14 : i64} {
  func.func @_stack_body(%arg0: i32, %arg1: i32, %arg2: memref<256x10240xf8E4M3FN, #tpu.memory_space<vmem>>, %arg3: memref<1x128x128xf32, #tpu.memory_space<vmem>>, %arg4: memref<1x1x128xf32, #tpu.memory_space<vmem>>, %arg5: memref<1x1x256xf32, #tpu.memory_space<vmem>>, %arg6: memref<10240x128xf32, #tpu.memory_space<vmem>>, %arg7: memref<10240x128xbf16, #tpu.memory_space<vmem>>, %arg8: memref<128x256xf32, #tpu.memory_space<vmem>>, %arg9: memref<1x256xf32, #tpu.memory_space<vmem>>, %arg10: memref<1x256xf32, #tpu.memory_space<vmem>>, %arg11: memref<10240x128xf32, #tpu.memory_space<vmem>>, %arg12: memref<10240x128xbf16, #tpu.memory_space<vmem>>, %arg13: memref<10240x128xbf16, #tpu.memory_space<vmem>>, %arg14: memref<8x128xf32, #tpu.memory_space<vmem>>) attributes {dimension_semantics = [#tpu.dimension_semantics<arbitrary>, #tpu.dimension_semantics<arbitrary>], iteration_bounds = array<i64: 8, 40>, scalar_prefetch = 0 : i64, scratch_operands = 4 : i64, tpu.core_type = #tpu.core_type<tc>, window_params = [{transform_indices = @transform_0, window_bounds = array<i64: 256, 10240>}, {transform_indices = @transform_1, window_bounds = array<i64: 1, 128, 128>}, {transform_indices = @transform_2, window_bounds = array<i64: 1, 1, 128>}, {transform_indices = @transform_3, window_bounds = array<i64: 1, 1, 256>}, {pipeline_mode = #tpu.pipeline_mode<synchronous>, transform_indices = @transform_4, window_bounds = array<i64: 10240, 128>}, {pipeline_mode = #tpu.pipeline_mode<synchronous>, transform_indices = @transform_5, window_bounds = array<i64: 10240, 128>}, {pipeline_mode = #tpu.pipeline_mode<synchronous>, transform_indices = @transform_6, window_bounds = array<i64: 128, 256>}, {pipeline_mode = #tpu.pipeline_mode<synchronous>, transform_indices = @transform_7, window_bounds = array<i64: 1, 256>}, {pipeline_mode = #tpu.pipeline_mode<synchronous>, transform_indices = @transform_8, window_bounds = array<i64: 1, 256>}]} {
    %eq3A = arith.constant 0 : i32
    %eq3A_0 = arith.cmpi eq, %arg0, %eq3A : i32
    %eq3A_1 = arith.constant 0 : i32
    %eq3A_2 = arith.cmpi eq, %arg1, %eq3A_1 : i32
    %and3A = arith.andi %eq3A_0, %eq3A_2 : i1
    %convert_element_type3A = arith.extui %and3A : i1 to i32
    %cond3A = arith.constant 0 : i32
    %cond3A_3 = arith.cmpi ne, %convert_element_type3A, %cond3A : i32
    scf.if %cond3A_3 {
      %get3A = arith.constant 0 : index
      %get3A_48 = arith.constant 0 : index
      %get3A_49 = vector.load %arg6[%get3A, %get3A_48] : memref<10240x128xf32, #tpu.memory_space<vmem>>, vector<10240x128xf32>
      %swap3A = arith.constant 0 : index
      %swap3A_50 = arith.constant 0 : index
      %swap3A_51 = vector.load %arg11[%swap3A, %swap3A_50] : memref<10240x128xf32, #tpu.memory_space<vmem>>, vector<10240x128xf32>
      tpu.vector_store %arg11[%swap3A, %swap3A_50], %get3A_49 {strides = array<i32>} : memref<10240x128xf32, #tpu.memory_space<vmem>>, vector<10240x128xf32>,
      %get3A_52 = arith.constant 0 : index
      %get3A_53 = arith.constant 0 : index
      %get3A_54 = vector.load %arg7[%get3A_52, %get3A_53] : memref<10240x128xbf16, #tpu.memory_space<vmem>>, vector<10240x128xbf16>
      %swap3A_55 = arith.constant 0 : index
      %swap3A_56 = arith.constant 0 : index
      %swap3A_57 = vector.load %arg12[%swap3A_55, %swap3A_56] : memref<10240x128xbf16, #tpu.memory_space<vmem>>, vector<10240x128xbf16>
      tpu.vector_store %arg12[%swap3A_55, %swap3A_56], %get3A_54 {strides = array<i32>} : memref<10240x128xbf16, #tpu.memory_space<vmem>>, vector<10240x128xbf16>,
      %broadcast_in_dim3A = arith.constant 0.000000e+00 : f32
      %broadcast_in_dim3A_58 = vector.broadcast %broadcast_in_dim3A : f32 to vector<8x128xf32>
      %swap3A_59 = arith.constant 0 : index
      %swap3A_60 = arith.constant 0 : index
      %swap3A_61 = vector.load %arg14[%swap3A_59, %swap3A_60] : memref<8x128xf32, #tpu.memory_space<vmem>>, vector<8x128xf32>
      tpu.vector_store %arg14[%swap3A_59, %swap3A_60], %broadcast_in_dim3A_58 {strides = array<i32>} : memref<8x128xf32, #tpu.memory_space<vmem>>, vector<8x128xf32>,
    } else {
    }
    %jit3A = arith.constant 2 : i32
    %eq3A_4 = arith.constant 0 : i32
    %eq3A_5 = arith.cmpi eq, %jit3A, %eq3A_4 : i32
    %jit3A_6 = arith.constant 1 : i32
    %select_n3A = arith.select %eq3A_5, %jit3A_6, %jit3A : i32
    %rem3A = arith.remsi %arg0, %select_n3A : i32
    %ne3A = arith.constant 0 : i32
    %ne3A_7 = arith.cmpi ne, %rem3A, %ne3A : i32
    %lt3A = arith.constant 0 : i32
    %lt3A_8 = arith.cmpi slt, %rem3A, %lt3A : i32
    %lt3A_9 = arith.constant 0 : i32
    %lt3A_10 = arith.cmpi slt, %select_n3A, %lt3A_9 : i32
    %ne3A_11 = arith.xori %lt3A_8, %lt3A_10 : i1
    %and3A_12 = arith.andi %ne3A_11, %ne3A_7 : i1
    %add3A = arith.addi %rem3A, %select_n3A : i32
    %select_n3A_13 = arith.select %and3A_12, %add3A, %rem3A : i32
    %eq3A_14 = arith.constant 0 : i32
    %eq3A_15 = arith.cmpi eq, %select_n3A_13, %eq3A_14 : i32
    %convert_element_type3A_16 = arith.extui %eq3A_15 : i1 to i32
    %cond3A_17 = arith.constant 0 : i32
    %cond3A_18 = arith.cmpi ne, %convert_element_type3A_16, %cond3A_17 : i32
    scf.if %cond3A_18 {
      %get3A = arith.constant 0 : index
      %get3A_48 = arith.constant 0 : index
      %get3A_49 = vector.load %arg2[%get3A, %get3A_48] : memref<256x10240xf8E4M3FN, #tpu.memory_space<vmem>>, vector<256x10240xf8E4M3FN>
      %get3A_50 = arith.constant 0 : index
      %get3A_51 = arith.constant 0 : index
      %get3A_52 = vector.load %arg12[%get3A_50, %get3A_51] : memref<10240x128xbf16, #tpu.memory_space<vmem>>, vector<10240x128xbf16>
      %dot_general3A = arith.constant dense<0.000000e+00> : vector<256x128xf32>
      %dot_general3A_53 = tpu.matmul %get3A_49, %get3A_52, %dot_general3A {dimension_numbers = #tpu.dot_dimension_numbers<[1], [0], [0], [1], [0, 0, 1, 1], [], []>, transpose_lhs_hint = false} : vector<256x10240xf8E4M3FN>, vector<10240x128xbf16>, vector<256x128xf32> -> vector<256x128xf32>
      %get3A_54 = arith.constant 0 : index
      %get3A_55 = arith.constant 0 : index
      %get3A_56 = arith.constant 0 : index
      %get3A_57 = vector.load %arg3[%get3A_54, %get3A_55, %get3A_56] : memref<1x128x128xf32, #tpu.memory_space<vmem>>, vector<1x128x128xf32>
      %get3A_58 = vector.shape_cast %get3A_57 : vector<1x128x128xf32> to vector<128x128xf32>
      %dot_general3A_59 = arith.constant dense<0.000000e+00> : vector<256x128xf32>
      %dot_general3A_60 = tpu.matmul %dot_general3A_53, %get3A_58, %dot_general3A_59 {dimension_numbers = #tpu.dot_dimension_numbers<[1], [0], [0], [1], [0, 0, 1, 1], [], []>, transpose_lhs_hint = false} : vector<256x128xf32>, vector<128x128xf32>, vector<256x128xf32> -> vector<256x128xf32>
      %get3A_61 = arith.constant 0 : index
      %get3A_62 = arith.constant 0 : index
      %get3A_63 = arith.constant 0 : index
      %get3A_64 = vector.load %arg5[%get3A_61, %get3A_62, %get3A_63] : memref<1x1x256xf32, #tpu.memory_space<vmem>>, vector<1x1x256xf32>
      %get3A_65 = vector.shape_cast %get3A_64 : vector<1x1x256xf32> to vector<256xf32>
      %broadcast_in_dim3A = vector.shape_cast %get3A_65 : vector<256xf32> to vector<256x1xf32>
      %mul3A = vector.broadcast %broadcast_in_dim3A : vector<256x1xf32> to vector<256x128xf32>
      %mul3A_66 = arith.mulf %mul3A, %dot_general3A_60 : vector<256x128xf32>
      %get3A_67 = arith.constant 0 : index
      %get3A_68 = arith.constant 0 : index
      %get3A_69 = arith.constant 0 : index
      %get3A_70 = vector.load %arg4[%get3A_67, %get3A_68, %get3A_69] : memref<1x1x128xf32, #tpu.memory_space<vmem>>, vector<1x1x128xf32>
      %get3A_71 = vector.shape_cast %get3A_70 : vector<1x1x128xf32> to vector<1x128xf32>
      %add3A_72 = vector.broadcast %get3A_71 : vector<1x128xf32> to vector<256x128xf32>
      %add3A_73 = arith.addf %mul3A_66, %add3A_72 : vector<256x128xf32>
      %ge3A = arith.constant 0.000000e+00 : f32
      %ge3A_74 = vector.broadcast %ge3A : f32 to vector<256x128xf32>
      %ge3A_75 = arith.cmpf oge, %add3A_73, %ge3A_74 : vector<256x128xf32>
      %mul3A_76 = arith.constant 0.00999999977 : f32
      %mul3A_77 = vector.broadcast %mul3A_76 : f32 to vector<256x128xf32>
      %mul3A_78 = arith.mulf %mul3A_77, %add3A_73 : vector<256x128xf32>
      %select_n3A_79 = arith.select %ge3A_75, %add3A_73, %mul3A_78 : vector<256x128xi1>, vector<256x128xf32>
      %mul3A_80 = arith.constant 256 : i32
      %mul3A_81 = arith.muli %arg1, %mul3A_80 : i32
      %get3A_82 = arith.index_cast %mul3A_81 : i32 to index
      %get3A_83 = arith.constant 0 : index
      %get3A_84 = vector.load %arg11[%get3A_82, %get3A_83] : memref<10240x128xf32, #tpu.memory_space<vmem>>, vector<256x128xf32>
      %add3A_85 = arith.addf %get3A_84, %select_n3A_79 : vector<256x128xf32>
      %mul3A_86 = arith.constant 256 : i32
      %mul3A_87 = arith.muli %arg1, %mul3A_86 : i32
      %swap3A = arith.index_cast %mul3A_87 : i32 to index
      %swap3A_88 = arith.constant 0 : index
      %swap3A_89 = vector.load %arg11[%swap3A, %swap3A_88] : memref<10240x128xf32, #tpu.memory_space<vmem>>, vector<256x128xf32>
      tpu.vector_store %arg11[%swap3A, %swap3A_88], %add3A_85 {strides = array<i32>} : memref<10240x128xf32, #tpu.memory_space<vmem>>, vector<256x128xf32>,
      %mul3A_90 = vector.broadcast %broadcast_in_dim3A : vector<256x1xf32> to vector<256x128xf32>
      %mul3A_91 = arith.mulf %mul3A_90, %add3A_85 : vector<256x128xf32>
      %convert_element_type3A_92 = arith.truncf %mul3A_91 : vector<256x128xf32> to vector<256x128xbf16>
      %mul3A_93 = arith.constant 256 : i32
      %mul3A_94 = arith.muli %arg1, %mul3A_93 : i32
      %swap3A_95 = arith.index_cast %mul3A_94 : i32 to index
      %swap3A_96 = arith.constant 0 : index
      %swap3A_97 = vector.load %arg13[%swap3A_95, %swap3A_96] : memref<10240x128xbf16, #tpu.memory_space<vmem>>, vector<256x128xbf16>
      tpu.vector_store %arg13[%swap3A_95, %swap3A_96], %convert_element_type3A_92 {strides = array<i32>} : memref<10240x128xbf16, #tpu.memory_space<vmem>>, vector<256x128xbf16>,
      %eq3A_98 = arith.constant 7 : i32
      %eq3A_99 = arith.cmpi eq, %arg0, %eq3A_98 : i32
      %convert_element_type3A_100 = arith.extui %eq3A_99 : i1 to i32
      %cond3A_101 = arith.constant 0 : i32
      %cond3A_102 = arith.cmpi ne, %convert_element_type3A_100, %cond3A_101 : i32
      scf.if %cond3A_102 {
        %mul3A_103 = arith.constant 256 : i32
        %mul3A_104 = arith.muli %arg1, %mul3A_103 : i32
        %iota3A = tpu.iota {dimensions = array<i32: 0>} : vector<256x128xi32>
        %add3A_105 = vector.broadcast %mul3A_104 : i32 to vector<256x128xi32>
        %add3A_106 = arith.addi %add3A_105, %iota3A : vector<256x128xi32>
        %lt3A_107 = arith.constant 10000 : i32
        %lt3A_108 = vector.broadcast %lt3A_107 : i32 to vector<256x128xi32>
        %lt3A_109 = arith.cmpi slt, %add3A_106, %lt3A_108 : vector<256x128xi32>
        %jit3A_110 = arith.constant 0.000000e+00 : f32
        %broadcast_in_dim3A_111 = vector.broadcast %jit3A_110 : f32 to vector<256x128xf32>
        %select_n3A_112 = arith.select %lt3A_109, %add3A_85, %broadcast_in_dim3A_111 : vector<256x128xi1>, vector<256x128xf32>
        %get3A_113 = arith.constant 0 : index
        %get3A_114 = arith.constant 0 : index
        %get3A_115 = vector.load %arg14[%get3A_113, %get3A_114] : memref<8x128xf32, #tpu.memory_space<vmem>>, vector<8x128xf32>
        %reshape3A = vector.shape_cast %select_n3A_112 : vector<256x128xf32> to vector<32x8x128xf32>
        %reduce_sum3A = arith.constant dense<0.000000e+00> : vector<8x128xf32>
        %reduce_sum3A_116 = vector.multi_reduction <add>, %reshape3A, %reduce_sum3A [0] : vector<32x8x128xf32> to vector<8x128xf32>
        %add3A_117 = arith.addf %get3A_115, %reduce_sum3A_116 : vector<8x128xf32>
        %swap3A_118 = arith.constant 0 : index
        %swap3A_119 = arith.constant 0 : index
        %swap3A_120 = vector.load %arg14[%swap3A_118, %swap3A_119] : memref<8x128xf32, #tpu.memory_space<vmem>>, vector<8x128xf32>
        tpu.vector_store %arg14[%swap3A_118, %swap3A_119], %add3A_117 {strides = array<i32>} : memref<8x128xf32, #tpu.memory_space<vmem>>, vector<8x128xf32>,
      } else {
      }
    } else {
    }
    %jit3A_19 = arith.constant 2 : i32
    %eq3A_20 = arith.constant 0 : i32
    %eq3A_21 = arith.cmpi eq, %jit3A_19, %eq3A_20 : i32
    %jit3A_22 = arith.constant 1 : i32
    %select_n3A_23 = arith.select %eq3A_21, %jit3A_22, %jit3A_19 : i32
    %rem3A_24 = arith.remsi %arg0, %select_n3A_23 : i32
    %ne3A_25 = arith.constant 0 : i32
    %ne3A_26 = arith.cmpi ne, %rem3A_24, %ne3A_25 : i32
    %lt3A_27 = arith.constant 0 : i32
    %lt3A_28 = arith.cmpi slt, %rem3A_24, %lt3A_27 : i32
    %lt3A_29 = arith.constant 0 : i32
    %lt3A_30 = arith.cmpi slt, %select_n3A_23, %lt3A_29 : i32
    %ne3A_31 = arith.xori %lt3A_28, %lt3A_30 : i1
    %and3A_32 = arith.andi %ne3A_31, %ne3A_26 : i1
    %add3A_33 = arith.addi %rem3A_24, %select_n3A_23 : i32
    %select_n3A_34 = arith.select %and3A_32, %add3A_33, %rem3A_24 : i32
    %eq3A_35 = arith.constant 1 : i32
    %eq3A_36 = arith.cmpi eq, %select_n3A_34, %eq3A_35 : i32
    %convert_element_type3A_37 = arith.extui %eq3A_36 : i1 to i32
    %cond3A_38 = arith.constant 0 : i32
    %cond3A_39 = arith.cmpi ne, %convert_element_type3A_37, %cond3A_38 : i32
    scf.if %cond3A_39 {
      %get3A = arith.constant 0 : index
      %get3A_48 = arith.constant 0 : index
      %get3A_49 = vector.load %arg2[%get3A, %get3A_48] : memref<256x10240xf8E4M3FN, #tpu.memory_space<vmem>>, vector<256x10240xf8E4M3FN>
      %get3A_50 = arith.constant 0 : index
      %get3A_51 = arith.constant 0 : index
      %get3A_52 = vector.load %arg13[%get3A_50, %get3A_51] : memref<10240x128xbf16, #tpu.memory_space<vmem>>, vector<10240x128xbf16>
      %dot_general3A = arith.constant dense<0.000000e+00> : vector<256x128xf32>
      %dot_general3A_53 = tpu.matmul %get3A_49, %get3A_52, %dot_general3A {dimension_numbers = #tpu.dot_dimension_numbers<[1], [0], [0], [1], [0, 0, 1, 1], [], []>, transpose_lhs_hint = false} : vector<256x10240xf8E4M3FN>, vector<10240x128xbf16>, vector<256x128xf32> -> vector<256x128xf32>
      %get3A_54 = arith.constant 0 : index
      %get3A_55 = arith.constant 0 : index
      %get3A_56 = arith.constant 0 : index
      %get3A_57 = vector.load %arg3[%get3A_54, %get3A_55, %get3A_56] : memref<1x128x128xf32, #tpu.memory_space<vmem>>, vector<1x128x128xf32>
      %get3A_58 = vector.shape_cast %get3A_57 : vector<1x128x128xf32> to vector<128x128xf32>
      %dot_general3A_59 = arith.constant dense<0.000000e+00> : vector<256x128xf32>
      %dot_general3A_60 = tpu.matmul %dot_general3A_53, %get3A_58, %dot_general3A_59 {dimension_numbers = #tpu.dot_dimension_numbers<[1], [0], [0], [1], [0, 0, 1, 1], [], []>, transpose_lhs_hint = false} : vector<256x128xf32>, vector<128x128xf32>, vector<256x128xf32> -> vector<256x128xf32>
      %get3A_61 = arith.constant 0 : index
      %get3A_62 = arith.constant 0 : index
      %get3A_63 = arith.constant 0 : index
      %get3A_64 = vector.load %arg5[%get3A_61, %get3A_62, %get3A_63] : memref<1x1x256xf32, #tpu.memory_space<vmem>>, vector<1x1x256xf32>
      %get3A_65 = vector.shape_cast %get3A_64 : vector<1x1x256xf32> to vector<256xf32>
      %broadcast_in_dim3A = vector.shape_cast %get3A_65 : vector<256xf32> to vector<256x1xf32>
      %mul3A = vector.broadcast %broadcast_in_dim3A : vector<256x1xf32> to vector<256x128xf32>
      %mul3A_66 = arith.mulf %mul3A, %dot_general3A_60 : vector<256x128xf32>
      %get3A_67 = arith.constant 0 : index
      %get3A_68 = arith.constant 0 : index
      %get3A_69 = arith.constant 0 : index
      %get3A_70 = vector.load %arg4[%get3A_67, %get3A_68, %get3A_69] : memref<1x1x128xf32, #tpu.memory_space<vmem>>, vector<1x1x128xf32>
      %get3A_71 = vector.shape_cast %get3A_70 : vector<1x1x128xf32> to vector<1x128xf32>
      %add3A_72 = vector.broadcast %get3A_71 : vector<1x128xf32> to vector<256x128xf32>
      %add3A_73 = arith.addf %mul3A_66, %add3A_72 : vector<256x128xf32>
      %ge3A = arith.constant 0.000000e+00 : f32
      %ge3A_74 = vector.broadcast %ge3A : f32 to vector<256x128xf32>
      %ge3A_75 = arith.cmpf oge, %add3A_73, %ge3A_74 : vector<256x128xf32>
      %mul3A_76 = arith.constant 0.00999999977 : f32
      %mul3A_77 = vector.broadcast %mul3A_76 : f32 to vector<256x128xf32>
      %mul3A_78 = arith.mulf %mul3A_77, %add3A_73 : vector<256x128xf32>
      %select_n3A_79 = arith.select %ge3A_75, %add3A_73, %mul3A_78 : vector<256x128xi1>, vector<256x128xf32>
      %mul3A_80 = arith.constant 256 : i32
      %mul3A_81 = arith.muli %arg1, %mul3A_80 : i32
      %get3A_82 = arith.index_cast %mul3A_81 : i32 to index
      %get3A_83 = arith.constant 0 : index
      %get3A_84 = vector.load %arg11[%get3A_82, %get3A_83] : memref<10240x128xf32, #tpu.memory_space<vmem>>, vector<256x128xf32>
      %add3A_85 = arith.addf %get3A_84, %select_n3A_79 : vector<256x128xf32>
      %mul3A_86 = arith.constant 256 : i32
      %mul3A_87 = arith.muli %arg1, %mul3A_86 : i32
      %swap3A = arith.index_cast %mul3A_87 : i32 to index
      %swap3A_88 = arith.constant 0 : index
      %swap3A_89 = vector.load %arg11[%swap3A, %swap3A_88] : memref<10240x128xf32, #tpu.memory_space<vmem>>, vector<256x128xf32>
      tpu.vector_store %arg11[%swap3A, %swap3A_88], %add3A_85 {strides = array<i32>} : memref<10240x128xf32, #tpu.memory_space<vmem>>, vector<256x128xf32>,
      %mul3A_90 = vector.broadcast %broadcast_in_dim3A : vector<256x1xf32> to vector<256x128xf32>
      %mul3A_91 = arith.mulf %mul3A_90, %add3A_85 : vector<256x128xf32>
      %convert_element_type3A_92 = arith.truncf %mul3A_91 : vector<256x128xf32> to vector<256x128xbf16>
      %mul3A_93 = arith.constant 256 : i32
      %mul3A_94 = arith.muli %arg1, %mul3A_93 : i32
      %swap3A_95 = arith.index_cast %mul3A_94 : i32 to index
      %swap3A_96 = arith.constant 0 : index
      %swap3A_97 = vector.load %arg12[%swap3A_95, %swap3A_96] : memref<10240x128xbf16, #tpu.memory_space<vmem>>, vector<256x128xbf16>
      tpu.vector_store %arg12[%swap3A_95, %swap3A_96], %convert_element_type3A_92 {strides = array<i32>} : memref<10240x128xbf16, #tpu.memory_space<vmem>>, vector<256x128xbf16>,
      %eq3A_98 = arith.constant 7 : i32
      %eq3A_99 = arith.cmpi eq, %arg0, %eq3A_98 : i32
      %convert_element_type3A_100 = arith.extui %eq3A_99 : i1 to i32
      %cond3A_101 = arith.constant 0 : i32
      %cond3A_102 = arith.cmpi ne, %convert_element_type3A_100, %cond3A_101 : i32
      scf.if %cond3A_102 {
        %mul3A_103 = arith.constant 256 : i32
        %mul3A_104 = arith.muli %arg1, %mul3A_103 : i32
        %iota3A = tpu.iota {dimensions = array<i32: 0>} : vector<256x128xi32>
        %add3A_105 = vector.broadcast %mul3A_104 : i32 to vector<256x128xi32>
        %add3A_106 = arith.addi %add3A_105, %iota3A : vector<256x128xi32>
        %lt3A_107 = arith.constant 10000 : i32
        %lt3A_108 = vector.broadcast %lt3A_107 : i32 to vector<256x128xi32>
        %lt3A_109 = arith.cmpi slt, %add3A_106, %lt3A_108 : vector<256x128xi32>
        %jit3A_110 = arith.constant 0.000000e+00 : f32
        %broadcast_in_dim3A_111 = vector.broadcast %jit3A_110 : f32 to vector<256x128xf32>
        %select_n3A_112 = arith.select %lt3A_109, %add3A_85, %broadcast_in_dim3A_111 : vector<256x128xi1>, vector<256x128xf32>
        %get3A_113 = arith.constant 0 : index
        %get3A_114 = arith.constant 0 : index
        %get3A_115 = vector.load %arg14[%get3A_113, %get3A_114] : memref<8x128xf32, #tpu.memory_space<vmem>>, vector<8x128xf32>
        %reshape3A = vector.shape_cast %select_n3A_112 : vector<256x128xf32> to vector<32x8x128xf32>
        %reduce_sum3A = arith.constant dense<0.000000e+00> : vector<8x128xf32>
        %reduce_sum3A_116 = vector.multi_reduction <add>, %reshape3A, %reduce_sum3A [0] : vector<32x8x128xf32> to vector<8x128xf32>
        %add3A_117 = arith.addf %get3A_115, %reduce_sum3A_116 : vector<8x128xf32>
        %swap3A_118 = arith.constant 0 : index
        %swap3A_119 = arith.constant 0 : index
        %swap3A_120 = vector.load %arg14[%swap3A_118, %swap3A_119] : memref<8x128xf32, #tpu.memory_space<vmem>>, vector<8x128xf32>
        tpu.vector_store %arg14[%swap3A_118, %swap3A_119], %add3A_117 {strides = array<i32>} : memref<8x128xf32, #tpu.memory_space<vmem>>, vector<8x128xf32>,
      } else {
      }
    } else {
    }
    %eq3A_40 = arith.constant 7 : i32
    %eq3A_41 = arith.cmpi eq, %arg0, %eq3A_40 : i32
    %eq3A_42 = arith.constant 39 : i32
    %eq3A_43 = arith.cmpi eq, %arg1, %eq3A_42 : i32
    %and3A_44 = arith.andi %eq3A_41, %eq3A_43 : i1
    %convert_element_type3A_45 = arith.extui %and3A_44 : i1 to i32
    %cond3A_46 = arith.constant 0 : i32
    %cond3A_47 = arith.cmpi ne, %convert_element_type3A_45, %cond3A_46 : i32
    scf.if %cond3A_47 {
      %get3A = arith.constant 0 : index
      %get3A_48 = arith.constant 0 : index
      %get3A_49 = vector.load %arg14[%get3A, %get3A_48] : memref<8x128xf32, #tpu.memory_space<vmem>>, vector<8x128xf32>
      %reduce_sum3A = arith.constant dense<0.000000e+00> : vector<128xf32>
      %reduce_sum3A_50 = vector.multi_reduction <add>, %get3A_49, %reduce_sum3A [0] : vector<8x128xf32> to vector<128xf32>
      %broadcast_in_dim3A = vector.shape_cast %reduce_sum3A_50 : vector<128xf32> to vector<1x128xf32>
      %mul3A = arith.constant 9.99999974E-5 : f32
      %mul3A_51 = vector.broadcast %mul3A : f32 to vector<1x128xf32>
      %mul3A_52 = arith.mulf %broadcast_in_dim3A, %mul3A_51 : vector<1x128xf32>
      %get3A_53 = arith.constant 0 : index
      %get3A_54 = arith.constant 0 : index
      %get3A_55 = vector.load %arg8[%get3A_53, %get3A_54] : memref<128x256xf32, #tpu.memory_space<vmem>>, vector<128x256xf32>
      %dot_general3A = arith.constant dense<0.000000e+00> : vector<1x256xf32>
      %dot_general3A_56 = tpu.matmul %mul3A_52, %get3A_55, %dot_general3A {dimension_numbers = #tpu.dot_dimension_numbers<[1], [0], [0], [1], [0, 0, 1, 1], [], []>, transpose_lhs_hint = false} : vector<1x128xf32>, vector<128x256xf32>, vector<1x256xf32> -> vector<1x256xf32>
      %get3A_57 = arith.constant 0 : index
      %get3A_58 = arith.constant 0 : index
      %get3A_59 = vector.load %arg9[%get3A_57, %get3A_58] : memref<1x256xf32, #tpu.memory_space<vmem>>, vector<1x256xf32>
      %add3A_60 = arith.addf %dot_general3A_56, %get3A_59 : vector<1x256xf32>
      %swap3A = arith.constant 0 : index
      %swap3A_61 = arith.constant 0 : index
      %swap3A_62 = vector.load %arg10[%swap3A, %swap3A_61] : memref<1x256xf32, #tpu.memory_space<vmem>>, vector<1x256xf32>
      tpu.vector_store %arg10[%swap3A, %swap3A_61], %add3A_60 {strides = array<i32>} : memref<1x256xf32, #tpu.memory_space<vmem>>, vector<1x256xf32>,
    } else {
    }
    return
  }
  func.func @transform_0(%arg0: i32, %arg1: i32) -> (i32, i32) {
    %c0_i32 = arith.constant 0 : i32
    %c0_i32_0 = arith.constant 0 : i32
    return %arg1, %c0_i32 : i32, i32
  }
  func.func @transform_1(%arg0: i32, %arg1: i32) -> (i32, i32, i32) {
    %c0_i32 = arith.constant 0 : i32
    %c0_i32_0 = arith.constant 0 : i32
    %c0_i32_1 = arith.constant 0 : i32
    return %arg0, %c0_i32, %c0_i32_0 : i32, i32, i32
  }
  func.func @transform_2(%arg0: i32, %arg1: i32) -> (i32, i32, i32) {
    %c0_i32 = arith.constant 0 : i32
    %c0_i32_0 = arith.constant 0 : i32
    %c0_i32_1 = arith.constant 0 : i32
    return %arg0, %c0_i32, %c0_i32_0 : i32, i32, i32
  }
  func.func @transform_3(%arg0: i32, %arg1: i32) -> (i32, i32, i32) {
    %c0_i32 = arith.constant 0 : i32
    %c0_i32_0 = arith.constant 0 : i32
    %c0_i32_1 = arith.constant 0 : i32
    return %arg1, %c0_i32, %c0_i32_0 : i32, i32, i32
  }
  func.func @transform_4(%arg0: i32, %arg1: i32) -> (i32, i32) {
    %c0_i32 = arith.constant 0 : i32
    %c0_i32_0 = arith.constant 0 : i32
    %c0_i32_1 = arith.constant 0 : i32
    return %c0_i32, %c0_i32_0 : i32, i32
  }
  func.func @transform_5(%arg0: i32, %arg1: i32) -> (i32, i32) {
    %c0_i32 = arith.constant 0 : i32
    %c0_i32_0 = arith.constant 0 : i32
    %c0_i32_1 = arith.constant 0 : i32
    return %c0_i32, %c0_i32_0 : i32, i32
  }
  func.func @transform_6(%arg0: i32, %arg1: i32) -> (i32, i32) {
    %c0_i32 = arith.constant 0 : i32
    %c0_i32_0 = arith.constant 0 : i32
    %c0_i32_1 = arith.constant 0 : i32
    return %c0_i32, %c0_i32_0 : i32, i32
  }
  func.func @transform_7(%arg0: i32, %arg1: i32) -> (i32, i32) {
    %c0_i32 = arith.constant 0 : i32
    %c0_i32_0 = arith.constant 0 : i32
    %c0_i32_1 = arith.constant 0 : i32
    return %c0_i32, %c0_i32_0 : i32, i32
  }
  func.func @transform_8(%arg0: i32, %arg1: i32) -> (i32, i32) {
    %c0_i32 = arith.constant 0 : i32
    %c0_i32_0 = arith.constant 0 : i32
    %c0_i32_1 = arith.constant 0 : i32
    return %c0_i32, %c0_i32_0 : i32, i32
  }
}

</mosaic_0001>

<sc_bundles>
// kernel: scatter_offload_async_start.1
scs
__scs_entry_jumppad:
0x0: {  	(pc) =	sbr.rel $0x88, $3  }
0x1: {  	(tag) =	ssettag $0x0;
	lr =	simm.s32 $0x1  }
0x2: {  	[smem:$0x3F99] =	sst lr;
	_ =	strace $0xD0000000  }
0x3: {  	_ = 	snop  }
0x4: {  	_ = 	snop  }
0x5: {  	_ = 	snop  }
0x6: {  	_ = 	snop  }
0x7: {  	_ = 	snop  }
__scs_overlays_trampoline_lowered:
0x8: {  	[smem:$0x3FA8] =	sst s0  }
0x9: {  	[smem:$0x3FA9] =	sst s1  }
0xa: {  	[smem:$0x3FAA] =	sst s2  }
0xb: {  	[smem:$0x3FAB] =	sst s3  }
0xc: {  	[smem:$0x3FAC] =	sst s4  }
0xd: {  	[smem:$0x3FAD] =	sst s5  }
0xe: {  	[smem:$0x3FAE] =	sst s6  }
0xf: {  	[smem:$0x3FAF] =	sst s7  }
0x10: {  	[smem:$0x3FB0] =	sst s8  }
0x11: {  	[smem:$0x3FB1] =	sst s9;
	s0 =	simm.s32 @!p0 $0x0  }
0x12: {  	s1 =	sld [smem:$0x3F97];
	s0 =	simm.s32 @p0 $0x1  }
0x13: {  	[smem:$0x3FB2] =	sst s0;
	s0 =	simm.s32 @!p1 $0x0  }
0x14: {  	s2 =	sld [smem:$0x3F96];
	s0 =	simm.s32 @p1 $0x1  }
0x15: {  	[smem:$0x3FB3] =	sst s0;
	s0 =	simm.s32 @!p2 $0x0  }
0x16: {  	s3 =	sld [smem:$0x3FDB];
	s0 =	simm.s32 @p2 $0x1  }
0x17: {  	s4 =	simm.s32 $0x1BF5;
	[smem:$0x3FB5] =	sst s0  }
0x18: {  	s0 =	sld [smem:$0x3F98];
	_ =	swait.ge [sflag:s4], $0x0  }
0x19: {  	s7 =	sld [smem:$0x3F99]  }
0x1a: {  	s8 =	sadd.s32 $0xFFFFE003, lr  }
0x1b: {  	s9 =	sadd.s32 $0xFFFFFEF7, lr;
	s5 =	simm.s32 $0xFFFFFFFF;
	p2 =	slt.u32 s8, $0xFFFFF086  }
0x1c: {  	p1 =	slt.u32 s9, $0xF7A;
	s5 =	simm.s32 @!p2 $0x0  }
0x1d: {  	s5 =	simm.s32 @p1 $0x1;
	p0 =	seq.s32 s7, s2  }
0x1e: {  	s7 =	smul.u32 @!p0 $0xF7A, s2;
	p2 =	seq.s32 @!p0 s5, $0x0  }
0x1f: {  	s9 =	smul.u32 $0xF7A, s1;
	s8 =	simm.s32 @!p0 $0x1BF5;
	p2 =	por !p2, p0  }
0x20: {  	[sflag:s8] =	ssyncset.s32 @!p0 $0xFFFFF086;
	s6 =	sadd.s32 @!p0 s3, s7;
	s7 =	simm.s32 @!p0 $0x108  }
0x21: {  	s3 =	sadd.s32 s3, s9;
	s6 =	sadd.s32 @!p0 $0x88, s6;
	s7 =	simm.s32 @p2 $0x1082  }
0x22: {  	[simem:s7], [sflag:s8] =	dma.local @!p0 [hbm:s6], $0xF7A  }
0x23: {  	s9 =	sor.u32 $0xD0000000, s2;
	s6 =	simm.s32 $0x108;
	_ =	swait.ge @!p0 [sflag:s8], $0x0  }
0x24: {  	s3 =	sadd.s32 $0x88, s3;
	s6 =	simm.s32 @!p1 $0x1082;
	[sflag:s4] =	ssyncset.s32 $0xFFFFF086  }
0x25: {  	[simem:s6], [sflag:s4] =	dma.local [hbm:s3], $0xF7A  }
0x26: {  	[smem:$0x3F99] =	sst s1;
	(tag) =	ssettag s2;
	_ =	strace s9  }
0x27: {  	s1 =	sld [smem:$0x3FA9]  }
0x28: {  	s2 =	sld [smem:$0x3FAA]  }
0x29: {  	s4 =	sld [smem:$0x3FAC]  }
0x2a: {  	p0 =	seq.s32 s5, $0x0;
	s5 =	sld [smem:$0x3FAD]  }
0x2b: {  	s6 =	sld [smem:$0x3FAE]  }
0x2c: {  	s7 =	sld [smem:$0x3FAF]  }
0x2d: {  	s3 =	simm.s32 $0x108;
	s8 =	sld [smem:$0x3FB0]  }
0x2e: {  	s3 =	simm.s32 @!p0 $0x1082;
	s9 =	sld [smem:$0x3FB1]  }
0x2f: {  	lr =	sadd.s32 s0, s3;
	s0 =	sld [smem:$0x3FA8]  }
0x30: {  	s3 =	sld [smem:$0x3FAB]  }
0x31: {  	[smem:$0x3FB4] =	sst s10  }
0x32: {  	s10 =	sld [smem:$0x3FB2];
	_ =	sdelay $0x3  }
0x33: {  	p0 =	seq.s32 s10, $0x1;
	s10 =	sld [smem:$0x3FB4];
	_ =	sdelay $0x3  }
0x34: {  	[smem:$0x3FB4] =	sst s10  }
0x35: {  	s10 =	sld [smem:$0x3FB3];
	_ =	sdelay $0x3  }
0x36: {  	p1 =	seq.s32 s10, $0x1;
	s10 =	sld [smem:$0x3FB4];
	_ =	sdelay $0x3  }
0x37: {  	[smem:$0x3FB4] =	sst s10  }
0x38: {  	s10 =	sld [smem:$0x3FB5]  }
0x39: {  	_ = 	snop;
	(pc) =	sbr.ind lr, $3  }
0x3a: {  	_ = 	snop  }
0x3b: {  	_ = 	snop  }
0x3c: {  	p2 =	seq.s32 s10, $0x1;
	s10 =	sld [smem:$0x3FB4]  }
0x3d: {  	_ =	shalt  }
0x3e: {  	_ =	shalt  }
0x3f: {  	_ =	shalt  }
0x40: {  	_ =	shalt  }
0x41: {  	_ =	shalt  }
0x42: {  	_ =	shalt  }
0x43: {  	_ =	shalt  }
0x44: {  	_ =	shalt  }
0x45: {  	_ =	shalt  }
0x46: {  	_ =	shalt  }
0x47: {  	_ =	shalt  }
0x48: {  	_ =	shalt  }
0x49: {  	_ =	shalt  }
0x4a: {  	_ =	shalt  }
0x4b: {  	_ =	shalt  }
0x4c: {  	_ =	shalt  }
0x4d: {  	_ =	shalt  }
0x4e: {  	_ =	shalt  }
0x4f: {  	_ =	shalt  }
0x50: {  	_ =	shalt  }
0x51: {  	_ =	shalt  }
0x52: {  	_ =	shalt  }
0x53: {  	_ =	shalt  }
0x54: {  	_ =	shalt  }
0x55: {  	_ =	shalt  }
0x56: {  	_ =	shalt  }
0x57: {  	_ =	shalt  }
0x58: {  	_ =	shalt  }
0x59: {  	_ =	shalt  }
0x5a: {  	_ =	shalt  }
0x5b: {  	_ =	shalt  }
0x5c: {  	_ =	shalt  }
0x5d: {  	_ =	shalt  }
0x5e: {  	_ =	shalt  }
0x5f: {  	_ =	shalt  }
0x60: {  	_ =	shalt  }
0x61: {  	_ =	shalt  }
0x62: {  	_ =	shalt  }
0x63: {  	_ =	shalt  }
0x64: {  	_ =	shalt  }
0x65: {  	_ =	shalt  }
0x66: {  	_ =	shalt  }
0x67: {  	_ =	shalt  }
0x68: {  	_ =	shalt  }
0x69: {  	_ =	shalt  }
0x6a: {  	_ =	shalt  }
0x6b: {  	_ =	shalt  }
0x6c: {  	_ =	shalt  }
0x6d: {  	_ =	shalt  }
0x6e: {  	_ =	shalt  }
0x6f: {  	_ =	shalt  }
0x70: {  	_ =	shalt  }
0x71: {  	_ =	shalt  }
0x72: {  	_ =	shalt  }
0x73: {  	_ =	shalt  }
0x74: {  	_ =	shalt  }
0x75: {  	_ =	shalt  }
0x76: {  	_ =	shalt  }
0x77: {  	_ =	shalt  }
0x78: {  	_ =	shalt  }
0x79: {  	_ =	shalt  }
0x7a: {  	_ =	shalt  }
0x7b: {  	_ =	shalt  }
0x7c: {  	_ =	shalt  }
0x7d: {  	_ =	shalt  }
0x7e: {  	_ =	shalt  }
0x7f: {  	_ =	shalt  }
0x80: {  	_ =	shalt  }
0x81: {  	_ =	shalt  }
0x82: {  	_ =	shalt  }
0x83: {  	_ =	shalt  }
0x84: {  	_ =	shalt  }
0x85: {  	_ =	shalt  }
0x86: {  	_ =	shalt  }
0x87: {  	_ =	shalt  }
.Lfunc_end0:
.L_simem_size_0:
called_computation.1_lowered:
.L_overlay_start_0:
0x88: {  	s0 =	sld [smem:$0x3FD9]  }
0x89: {  	s1 =	sld [smem:$0x3FFE];
	_ =	sdelay $0x3  }
0x8a: {  	s0 =	sadd.s32 s1, s0  }
0x8b: {  	[smem:$0x3FC0] =	sst s0  }
0x8c: {  	_ = 	snop  }
0x8d: {  	(tm) =	ssettm $0x1  }
0x8e: {  	s15 =	sld [smem:$0x3FFB];
	_ =	sdelay $0x3  }
0x8f: {  	_ =	strace s15  }
0x90: {  	s0 =	sld [smem:$0x3FFC];
	_ =	sdelay $0x3  }
0x91: {  	_ =	strace s0  }
0x92: {  	s0 =	sld [smem:$0x3FFD];
	_ =	sdelay $0x3  }
0x93: {  	_ =	strace s0  }
0x94: {  	_ =	strace $0x8FFFFFFF  }
0x95: {  	s16 =	sld [smem:$0x3FDB];
	_ =	sdelay $0x1  }
0x96: {  	s17 =	simm.s32 $_scs_section_size  }
0x97: {  	s2 =	simm.s32 $_size__tile_overlayer_lowered;
	s3 =	simm.s32 $_tile_overlayer_lowered  }
0x98: {  	s20 =	simm.s32 $0x1BFF;
	s19 =	sshll.u32 s3, $0x1;
	s0 =	sadd.s32 s17, s16  }
0x99: {  	s4 =	simm.s32 $0x0;
	s18 =	sshll.u32 s2, $0x1;
	s2 =	sadd.s32 s19, s0  }
0x9a: {  	[timem:s4], [sflag:s20] =	dma.local [hbm:s2], s18  }
0x9b: {  	_ =	swait.ge [sflag:s20], s18  }
0x9c: {  	s1 =	ssub.s32 $0x0, s18;
	[sflag:s20] =	ssyncset.done $0x0  }
0x9d: {  	[sflag:s20] =	ssyncadd.s32 s1;
	_ =	sdelay $0x1  }
0x9e: {  	s21 =	simm.s32 $0x1B8B  }
0x9f: {  	_ =	swait.ge [sflag:s21], $0x1  }
0xa0: {  	[sflag:s21] =	ssyncset.done $0x0  }
0xa1: {  	s23 =	simm.s32 $0x1B8E;
	s22 =	sld [smem:$0x3FFE];
	[sflag:s21] =	ssyncadd.s32 $0xFFFFFFFF  }
0xa2: {  	s24 =	simm.s32 $execute0_lowered;
	[smem:$0x3FD2] =	sst s23  }
0xa3: {  	s2 =	sshll.u32 s24, $0x1;
	_ =	strace $0x80000049;
	[dreg:$0x1] =	wrdreg $0xFFFFFFFF  }
0xa4: {  	s25 =	simm.s32 $_size_execute0_lowered;
	s0 =	sadd.s32 s0, s2;
	[dreg:$0x0] =	wrdreg $0x0  }
0xa5: {  	s2 =	sshll.u32 s25, $0x1;
	[dreg:$0x2] =	wrdreg s0  }
0xa6: {  	[dreg:$0x3] =	wrdreg s2  }
0xa7: {  	[dreg:$0x4] =	wrdreg $0xC0  }
0xa8: {  	_ =	task [dreg:s4], $0x5FFFF  }
0xa9: {  	[dreg:$0x1] =	wrdreg $0xFFFFFFFF  }
0xaa: {  	[dreg:$0x0] =	wrdreg $0x60  }
0xab: {  	[dreg:$0x2] =	wrdreg s22  }
0xac: {  	[dreg:$0x3] =	wrdreg $0x9  }
0xad: {  	_ =	task.clear_ibuf [dreg:s4], $0x4FFFF;
	_ =	strace $0x90000049  }
0xae: {  	s26 =	simm.s32 $0x9;
	_ =	strace $0x8000004B  }
0xaf: {  	_ =	swait.ge [sflag:s26], $0x1  }
0xb0: {  	[sflag:s26] =	ssyncadd.s32 $0xFFFFFFFF  }
0xb1: {  	_ =	strace $0x9000004B  }
0xb2: {  	_ =	sfence  }
0xb3: {  	s28 =	sld [smem:$0x0];
	_ =	sdelay $0x1  }
0xb4: {  	s29 =	srdreg.scid  }
0xb5: {  	s30 =	sshll.u32 s29, $0xD;
	s31 =	sshrl.u32 s29, $0x2  }
0xb6: {  	s1 =	sand.u32 $0x1, s29;
	s2 =	sand.u32 $0x4000, s30;
	s0 =	sadd.s32 s31, s28  }
0xb7: {  	s1 =	sor.u32 s2, s1;
	s0 =	sshll.u32 s0, $0x11  }
0xb8: {  	s0 =	sor.u32 s0, s1  }
0xb9: {  	s0 =	sadd.s32 $0x8F2B, s0  }
0xba: {  	[sflag:s0] =	ssyncadd.remote.s32 $0x1  }
0xbb: {  	_ =	sfence.sel $0xFFFF  }
0xbc: {  	[dreg:$0x0] =	wrdreg $0xFFFFFFFF;
	(pc) =	sbr.abs _section_cstart, $3  }
0xbd: {  	[dreg:$0x1] =	wrdreg $0xFFFFFFFF  }
0xbe: {  	_ =	task.clear_ibuf [dreg:s4], $0x2FFFF;
	_ =	strace $0x9FFFFFFF  }
0xbf: {  	(tm) =	ssettm $0x7FFFFFFF  }
tec
execute0_lowered:
.L_overlay_start_1:
0x0: {  	(tag) =	ssettag $0x1  }
0x1: {  	s0 =	rddreg [dreg:$0x0]  }
0x2: {  	s6 =	stileid.u32;
	_ =	strace $0x8000004A;
	s2 =	simm.s32 $0x1  }
0x3: {  	v1 =	vimm.s32 $0xFFFFFFFF;
	s1 =	smul.u32 $0x3, s6;
	[sflag:s2] =	ssyncpa.u1 $0x0  }
0x4: {  	s3 =	smin.u32 s6, $0x7;
	[tilespmem:$0x10] =	vst v1  }
0x5: {  	v0 =	vimm.s32 $0x0;
	[tilespmem:$0x20] =	vst v1;
	s1 =	sadd.s32 s3, s1  }
0x6: {  	p0 =	slt.u32 s6, $0x7;
	[tilespmem:$0x30] =	vst v0;
	s3 =	smul.u32 $0x1770, s1;
	s1 =	simm.s32 $0x5DC0  }
0x7: {  	[tilespmem:$0x40] =	vst v0;
	s1 =	simm.s32 @!p0 $0x4650  }
0x8: {  	[tilespmem:$0x50] =	vst v0;
	s1 =	sadd.s32 s1, s3  }
0x9: {  	[tilespmem:$0x60] =	vst v1;
	s4 =	smin.u32 s1, $0x50910  }
0xa: {  	s7 =	simm.s32 $0x2;
	[tilespmem:$0x70] =	vst v1;
	s9 =	ssub.s32 s4, s3  }
0xb: {  	s8 =	simm.s32 $0x8;
	s31 =	simm.s32 $0x9;
	[tilespmem:$0x80] =	vst v1;
	p0 =	sgt.s32 s9, $0x0  }
0xc: {  	s16 =	simm.s32 $0x0;
	s17 =	simm.s32 $0xF0;
	[tilespmem:$0x90] =	vst v0;
	s9 =	simm.s32 @!p0 $0x0  }
0xd: {  	s18 =	simm.s32 $0xFFFFFFFF;
	s19 =	simm.s32 $0xFFFFD220;
	[tilespmem:$0xA0] =	vst v0;
	s5 =	smulhi.u32 $0x57619F1, s9  }
0xe: {  	s20 =	simm.s32 $0xFFFFFFFE;
	[tilespmem:$0xB0] =	vst v0;
	[sflag:s7] =	ssyncpa.u1 $0x0;
	s7 =	simm.s32 $0x7  }
0xf: {  	s21 =	simm.s32 $0xF;
	[sflag:s7] =	ssyncpa.u1 $0x0;
	s10 =	sshrl.u32 s5, $0x7  }
0x10: {  	s25 =	simm.s32 $0x0;
	[sflag:s8] =	ssyncpa.u1 $0x0;
	s11 =	smul.u32 $0x1770, s10  }
0x11: {  	s24 =	simm.s32 $0x0;
	s14 =	sshllo.u32 s6, $0x1;
	[sflag:s31] =	ssyncpa.u1 $0x0  }
.Ltmp0:
0x12: {  	s1 =	sadd.s32 $0x15800, s0;
	p0 =	sne.s32 s9, s11;
	(pc) =	sbr.rel .LBB2_1-.Ltmp0, $4  }
0x13: {  	s5 =	sadd.s32 $0xE00, s0;
	s0 =	sadd.s32 $0xB000, s0;
	s2 =	simm.s32 @!p0 $0x0  }
0x14: {  	s23 =	smov.u32 s3;
	[dreg:$0x2] =	wrdreg s0;
	s9 =	sadd.s32 s2, s10  }
0x15: {  	vm0 =	vmmov $0xffff;
	vm1 =	vmxor vm1, vm1;
	p0 =	por $0x0, $0x0;
	s10 =	sshll.u32 s6, $0x1;
	s11 =	sadd.s32 $0x1, s9  }
0x16: {  	vm2 =	vmmov $0x1;
	vm3 =	vcmask $0x3F3C;
	v1 =	vlaneseq.u32;
	s12 =	sadd.s32 $0x2, s9;
	s13 =	sor.u32 $0x81, s10;
	s15 =	sor.u32 $0x80, s10  }
.LBB2_9:
0x17: {  	p1 =	slt.u32 s24, $0x3  }
0x18: {  	s0 =	simm.s32 @!p1 $0x2  }
0x19: {  	_ =	swait.ge @!p1 [sflag:s0], $0x1770  }
0x1a: {  	[sflag:s0] =	ssyncset.done @!p1 $0x0  }
0x1b: {  	[sflag:s0] =	ssyncadd.s32 @!p1 $0xFFFFE890;
	s0 =	simm.s32 @!p1 $0x9  }
0x1c: {  	_ =	swait.ge @!p1 [sflag:s0], $0x10  }
0x1d: {  	[sflag:s0] =	ssyncset.done @!p1 $0x0  }
0x1e: {  	[sflag:s0] =	ssyncadd.s32 @!p1 $0xFFFFFFF0;
	p1 =	sne.s32 s24, s12  }
.Ltmp1:
0x1f: {  	s2 =	sadd.s32 $0x1770, s23;
	(pc) =	sbr.rel @!p1 .LBB2_10-.Ltmp1, $4  }
0x20: {  	s6 =	smov.u32 s3;
	s31 =	sadd.s32 $0x1, s24;
	s17 =	sadd.s32 $0x1770, s17  }
0x21: {  	s18 =	sadd.s32 $0x1, s18;
	s25 =	smov.u32 s23;
	p2 =	slt.s32 s2, s4  }
0x22: {  	p0 =	por !p0, !p0;
	s19 =	sadd.s32 $0x1770, s19;
	s6 =	smov.u32 @p2 s2  }
0x23: {  	s20 =	sadd.s32 $0x1, s20;
	s23 =	smov.u32 s6;
	s24 =	smov.u32 s31  }
.LBB2_1:
0x24: {  	p1 =	sge.u32 s24, s9  }
0x25: {  	s0 =	smulhi.u32 @!p1 $0xAAAAAAAB, s24;
	_ =	sdelay $0x1  }
0x26: {  	s0 =	sshrl.u32 @!p1 s0, $0x1  }
0x27: {  	s0 =	smul.u32 @!p1 $0x3, s0;
	_ =	sdelay $0x1  }
0x28: {  	s0 =	ssub.s32 @!p1 s24, s0  }
0x29: {  	s0 =	smul.u32 @!p1 $0x5DC0, s0;
	_ =	sdelay $0x1  }
0x2a: {  	s2 =	sshrl.u32 @!p1 s23, $0x3;
	s0 =	sshrl.u32 @!p1 s0, $0x2  }
0x2b: {  	s22 =	sand.u32 @!p1 $0x7, s23;
	s2 =	sadd.s32 @!p1 s5, s2;
	s0 =	sadd.s32 @!p1 $0x100, s0  }
0x2c: {  	[tilespmem:s0], [sflag:$0x7] =	stream.linear.gather @!p1 [hbm4b:s2+s22], $0x1770, $0x38;
	[tilespmem:$0xD410] =	vst v63  }
0x2d: {  	s0 =	sadd.s32 $0xFFFFFFFF, s24  }
0x2e: {  	p1 =	sge.u32 s0, s9  }
.Ltmp2:
0x2f: {  	_ = 	snop;
	(pc) =	sbr.rel @p1 .LBB2_5-.Ltmp2, $1  }
0x30: {  	_ =	sdelay $0x3  }
0x31: {  	s2 =	smulhi.u32 $0xAAAAAAAB, s0;
	_ =	sdelay $0x1  }
0x32: {  	s2 =	sshrl.u32 s2, $0x1  }
0x33: {  	s2 =	smul.u32 $0x3, s2;
	_ =	sdelay $0x1  }
0x34: {  	s2 =	ssub.s32 s0, s2  }
0x35: {  	s2 =	smul.u32 $0x5DC0, s2  }
0x36: {  	_ =	swait.ge [sflag:s7], $0x1770  }
0x37: {  	[sflag:s7] =	ssyncset.done $0x0;
	s2 =	sshrl.u32 s2, $0x2  }
0x38: {  	[sflag:s7] =	ssyncadd.s32 $0xFFFFE890;
	(ifvalue) =	ssetifvalue $0xFFFFFFFF;
	v2 =	vld.msk [tilespmem:s2+$0x100 ss:$0x1], $0xffff;
	_ =	sdelay $0x2  }
0x39: {  	s30 =	smulhi.u32 $0xAAAAAAAB, s18;
	p1 =	sne.s32 s24, $0x1  }
0x3a: {  	v3 =	vimm.s32 @!p1 $0x0  }
0x3b: {  	s2 =	sshrl.u32 s30, $0x1;
	v3 =	vperm.xlane @!p1 v2, v3  }
0x3c: {  	s22 =	sshll.u32 s24, $0x4;
	s2 =	smul.u32 $0xFFFEE6C0, s2;
	vm4 =	vlt.u32 v2, $0xC80000  }
0x3d: {  	s22 =	sand.u32 $0x10, s22;
	v2 =	vnsel vm4, $0xFFFFFFFE, v2;
	vm4 =	vlt.u32 @!p1 v3, $0xC80000  }
0x3e: {  	s2 =	sshra.s32 s2, $0x2;
	[tilespmem:s22+$0x60] =	vst v2;
	v2 =	vnsel @!p1 vm4, $0xFFFFFFFE, v3  }
0x3f: {  	s2 =	sadd.s32 s2, s17;
	[tilespmem:$0x80] =	vst @!p1 v2  }
0x40: {  	v2 =	vld.msk [tilespmem:s2+$0x0 ss:$0x1], $0xffff;
	_ =	sdelay $0x4  }
0x41: {  	(xrf1) =	vunique.msk.u32 $0xffff, v2;
	_ =	sdelay $0xd  }
0x42: {  	v3 =	vimm.s32 $0xFFFFFFFF;
	v4, _, _ =	vpop (xrf1)  }
0x43: {  	vm5 =	vne.s32 v2, v3;
	vm4 =	veq.s32 v4, v1  }
0x44: {  	vm6 =	vlt.u32 v2, $0xC80000;
	vm4 =	vmand vm5, vm4  }
0x45: {  	vm4 =	vmand vm6, vm4  }
0x46: {  	v3 =	vnsel vm4, $0xFFFFFFFF, v2  }
0x47: {  	s31 =	sand.u32 $0x1, s0  }
0x48: {  	s26 =	simm.s32 $0x1770;
	p1 =	seq.s32 s31, $0x1  }
0x49: {  	s26 =	simm.s32 @!p1 $0x0  }
0x4a: {  	s0 =	sadd.s32 $0x5EB0, s26;
	(ifvalue) =	ssetifvalue $0xFFFFFFFF  }
0x4b: {  	v2 =	vperm.xlane v2, v0;
	[tilespmem:s0], [sflag:$0x8] =	stream.indirect_vreg.gather [hbm4b:s1+s16], $0x1, v3, vm0, $0x4038;
	v3 =	vnsel vm6, $0xFFFFFFFE, v3;
	[tilespmem:$0xD410] =	vst v63  }
0x4c: {  	s28 =	simm.s32 $0x0;
	s29 =	sadd.s32 $0xFFFFFFF0, s2;
	[tilespmem:s2+$0x0] =	vst v3  }
.LBB2_3:
0x4d: {  	v3 =	vld.msk [tilespmem:s29+$0x0 ss:$0x1], $0xffff;
	s28 =	sadd.s32 $0x10, s28;
	v4 =	vmov v2;
	s2 =	smov.u32 s29  }
0x4e: {  	p1 =	slt.u32 s28, $0x1760;
	_ =	sdelay $0x4  }
0x4f: {  	v2 =	vperm.xlane v3, v0;
	(xrf1) =	vunique.msk.u32 $0xffff, v3;
	_ =	sdelay $0xd  }
0x50: {  	v5, _, _ =	vpop (xrf1)  }
0x51: {  	vm5 =	vne.s32 v3, v4;
	vm4 =	veq.s32 v5, v1  }
0x52: {  	vm6 =	vlt.u32 v3, $0xC80000;
	vm4 =	vmand vm5, vm4  }
0x53: {  	vm4 =	vmand vm6, vm4  }
0x54: {  	v3 =	vnsel vm4, $0xFFFFFFFF, v3  }
.Ltmp3:
0x55: {  	v4 =	vnsel vm6, $0xFFFFFFFE, v3;
	(pc) =	sbr.rel @p1 .LBB2_3-.Ltmp3, $3  }
0x56: {  	_ =	sdelay $0x1  }
0x57: {  	s29 =	sadd.s32 $0xFFFFFFF0, s29;
	s0 =	sadd.s32 $0xFFFFFFF0, s0;
	(ifvalue) =	ssetifvalue $0xFFFFFFFF  }
0x58: {  	[tilespmem:s0], [sflag:$0x8] =	stream.indirect_vreg.gather [hbm4b:s1+s16], $0x1, v3, vm0, $0x4038;
	[tilespmem:s2+$0x0] =	vst v4  }
0x59: {  	s0 =	sshrl.u32 s25, $0x3;
	s2 =	rddreg [dreg:$0x2]  }
0x5a: {  	s31 =	sadd.s32 $0x7630, s26;
	s0 =	sadd.s32 s2, s0  }
0x5b: {  	[tilespmem:s31], [sflag:$0x8] =	stream.linear.gather [hbm:s0], $0x1770, $0x38;
	[tilespmem:$0xD410] =	vst v63  }
.LBB2_5:
0x5c: {  	p1 =	slt.u32 s24, $0x2  }
0x5d: {  	p2 =	sge.u32 @!p1 s24, s12  }
0x5e: {  	p1 =	por p1, p2  }
.Ltmp4:
0x5f: {  	_ = 	snop;
	(pc) =	sbr.rel @p1 .LBB2_9-.Ltmp4, $1  }
0x60: {  	_ =	sdelay $0x3  }
0x61: {  	s0 =	sadd.s32 $0xFFFFFFFE, s24  }
0x62: {  	s2 =	smulhi.u32 $0xAAAAAAAB, s0;
	_ =	sdelay $0x1  }
0x63: {  	s2 =	sshrl.u32 s2, $0x1  }
0x64: {  	s2 =	smul.u32 $0x3, s2;
	_ =	sdelay $0x1  }
0x65: {  	s0 =	ssub.s32 s0, s2  }
0x66: {  	_ =	swait.ge [sflag:s8], $0x2EE0;
	s0 =	smul.u32 $0x1770, s0  }
0x67: {  	p1 =	sne.s32 s24, s11;
	[sflag:s8] =	ssyncset.done $0x0  }
0x68: {  	[sflag:s8] =	ssyncadd.s32 $0xFFFFD120;
	s2 =	sadd.s32 @!p1 $0x186F, s0  }
0x69: {  	[spmem:s13] =	stream.linear.scatter @!p1 [tilespmem:s2], [sflag:$0x1], $0x1, $0x38;
	[tilespmem:$0xD410] =	vst v63  }
0x6a: {  	s2 =	simm.s32 @!p1 $0x1  }
0x6b: {  	_ =	swait.ge @!p1 [sflag:s2], $0x1  }
0x6c: {  	s22 =	sshll.u32 s24, $0x4;
	[sflag:s2] =	ssyncset.done @!p1 $0x0  }
0x6d: {  	s25 =	sand.u32 $0x10, s22;
	[sflag:s2] =	ssyncadd.s32 @!p1 $0xFFFFFFFF  }
0x6e: {  	s2 =	sxor.u32 $0x10, s25;
	v3 =	vld [tilespmem:s25+$0x10]  }
0x6f: {  	v4 =	vld [tilespmem:s2+$0x60]  }
0x70: {  	v2 =	vld [tilespmem:$0x80];
	_ =	sdelay $0x2  }
0x71: {  	(v2sf) =	vpush v3, $0x0  }
0x72: {  	(v2sf) =	vpush v4, $0x0  }
0x73: {  	(v2sf) =	vpush v2, $0x0;
	_ =	sdelay $0xc  }
0x74: {  	s6 =	spop (v2sf)  }
0x75: {  	s28 =	spop (v2sf)  }
0x76: {  	s26 =	spop (v2sf)  }
0x77: {  	p2 =	seq.s32 s6, s28;
	p3 =	seq.s32 s26, s6  }
0x78: {  	p3 =	por p2, p3  }
0x79: {  	s6 =	sand.u32 $0x1, s24;
	v3 =	vpsel p3, $0xFFFFFFFF, v3  }
0x7a: {  	s28 =	smul.u32 $0x1770, s6;
	[tilespmem:s25+$0x10] =	vst.msk $0x1, v3  }
0x7b: {  	v3 =	vld [tilespmem:$0x30]  }
0x7c: {  	v4 =	vld [tilespmem:s28+$0x7630]  }
0x7d: {  	v5 =	vld [tilespmem:s25+$0x40];
	_ =	sdelay $0x2  }
0x7e: {  	vm4 =	vmmov vm1  }
0x7f: {  	vm5 =	vmmov vm2;
	vm4 =	vmmov @p2 vm2;
	v4 =	vadd.s32 v3, v4  }
0x80: {  	s22 =	sshll.u32 s6, $0x4;
	vm5 =	vmmov @p3 vm1;
	v3 =	vadd.s32 v3, v5;
	[tilespmem:s28+$0x7630] =	vst.msk vm4, v4  }
0x81: {  	[tilespmem:s22+$0xD3F0] =	vst.msk vm5, v3  }
0x82: {  	v3 =	vld [tilespmem:s28+$0x5EB0];
	_ =	sdelay $0x3  }
0x83: {  	v4 =	vimm.s32 $0x0  }
0x84: {  	v3 =	vshift.insert v3, v4, s21  }
0x85: {  	s29 =	sor.u32 $0x40, s2  }
0x86: {  	[tilespmem:s29+$0x0] =	vst.msk $0x1, v3  }
0x87: {  	[tilespmem:s28+$0x5EBF] =	vst.msk $0x1, v4  }
0x88: {  	v3 =	vld [tilespmem:s0+$0x1860]  }
0x89: {  	s6 =	smulhi.u32 $0xAAAAAAAB, s20;
	_ =	sdelay $0x1  }
0x8a: {  	s29 =	simm.s32 $0x1;
	s0 =	sshrl.u32 s6, $0x1  }
0x8b: {  	s29 =	simm.s32 @!p0 $0x0;
	s0 =	smul.u32 $0xFFFEE6C0, s0  }
0x8c: {  	s29 =	smul.u32 $0x5DC0, s29;
	v3 =	vshift.insert v3, v4, s21  }
0x8d: {  	s0 =	sshra.s32 s0, $0x2  }
0x8e: {  	s29 =	sshrl.u32 s29, $0x2;
	s6 =	sadd.s32 s0, s19;
	[tilespmem:s2+$0x10] =	vst.msk $0x1, v3  }
0x8f: {  	s30 =	sadd.s32 $0x7630, s29;
	v5 =	vld [tilespmem:s6+$0x0]  }
0x90: {  	v6 =	vld [tilespmem:s30+$0x0];
	_ =	sdelay $0x4  }
0x91: {  	vm4 =	vne.s32 v5, $0xFFFFFFFF;
	v6 =	vadd.s32 v4, v6;
	v4 =	vperm.xlane v3, v4  }
0x92: {  	s31 =	sadd.s32 $0x4750, s29;
	(xrf0) =	vadd.seg.scan.s32 vm4, v6  }
0x93: {  	vm5 =	veq.s32 v5, v2;
	v6 =	vld [tilespmem:s31+$0x0];
	vm6 =	veq.s32 v5, v4  }
0x94: {  	vm7 =	vgt.u32 v5, $0xFFFFFFFD;
	vm6 =	vmor vm6, vm5  }
0x95: {  	v7 =	vld [tilespmem:$0xA0];
	vm6 =	vmor vm6, vm7  }
0x96: {  	v9 =	vld [tilespmem:$0x90];
	v5 =	vsel vm6, $0xFFFFFFFF, v5;
	_ =	sdelay $0x1  }
0x97: {  	v6 =	vsel vm5, $0x0, v6;
	v8, _, _ =	vpop (xrf0)  }
0x98: {  	s0 =	sadd.s32 $0xA510, s29;
	s29 =	sadd.s32 $0xD3F0, s22;
	vm4 =	vmand vm4, vm3;
	v6 =	vadd.s32 v6, v8  }
0x99: {  	s22 =	sadd.s32 $0x10, s6;
	s2 =	simm.s32 $0x0;
	vm6 =	veq.s32 v7, $0x1;
	[tilespmem:s0+$0x0] =	vst v6;
	(ifvalue) =	ssetifvalue $0xFFFFFFFF;
	v6 =	vsel vm4, $0x0, v8  }
0x9a: {  	vm4 =	vmor vm6, vm5;
	[hbm4b:s1+s16] =	stream.indirect_vreg.scatter [tilespmem:s0], [sflag:$0x2], $0x1, v5, vm0, $0x4038;
	v5 =	vsel vm5, v8, v9;
	v6 =	vshift.insert v6, v0, s21;
	[tilespmem:$0xD410] =	vst v63  }
.LBB2_7:
0x9b: {  	v7 =	vld [tilespmem:s22+$0x0];
	s30 =	sadd.s32 $0x10, s30  }
0x9c: {  	s31 =	sadd.s32 $0x10, s31;
	v8 =	vld [tilespmem:s30+$0x0]  }
0x9d: {  	s2 =	sadd.s32 $0x10, s2;
	v9 =	vld [tilespmem:s31+$0x0]  }
0x9e: {  	p2 =	slt.u32 s2, $0x1760;
	_ =	sdelay $0x2  }
0x9f: {  	vm5 =	vne.s32 v7, $0xFFFFFFFF;
	v6 =	vadd.s32 v6, v8  }
0xa0: {  	vm6 =	vmand vm5, vm3;
	(xrf0) =	vadd.seg.scan.s32 vm5, v6  }
0xa1: {  	vm7 =	veq.s32 v7, v4;
	vm5 =	veq.s32 v7, v2  }
0xa2: {  	vm8 =	vgt.u32 v7, $0xFFFFFFFD;
	vm4 =	vmor vm4, vm5;
	vm7 =	vmor vm7, vm5  }
0xa3: {  	vm7 =	vmor vm7, vm8  }
0xa4: {  	v7 =	vsel vm7, $0xFFFFFFFF, v7  }
.Ltmp5:
0xa5: {  	(pc) =	sbr.rel @p2 .LBB2_7-.Ltmp5, $4  }
0xa6: {  	v6 =	vsel vm5, $0x0, v9;
	v8, _, _ =	vpop (xrf0)  }
0xa7: {  	s0 =	sadd.s32 $0x10, s0;
	v5 =	vsel vm5, v8, v5;
	v6 =	vadd.s32 v6, v8;
	v8 =	vsel vm6, $0x0, v8  }
0xa8: {  	s22 =	sadd.s32 $0x10, s22;
	[tilespmem:s0+$0x0] =	vst v6;
	v6 =	vshift.insert v8, v0, s21;
	(ifvalue) =	ssetifvalue $0xFFFFFFFF  }
0xa9: {  	[hbm4b:s1+s16] =	stream.indirect_vreg.scatter [tilespmem:s0], [sflag:$0x2], $0x1, v7, vm0, $0x4038;
	[tilespmem:$0xD410] =	vst v63  }
0xaa: {  	v2 =	vld [tilespmem:s28+$0xBC70];
	_ =	sdelay $0x4  }
0xab: {  	v2 =	vshift.insert v2, v0, s21  }
0xac: {  	s0 =	simm.s32 $0x30  }
0xad: {  	[tilespmem:s0+$0x0] =	vst.msk $0x1, v2  }
0xae: {  	v2 =	vsel vm4, $0x1, v0;
	[tilespmem:$0x90] =	vst v5  }
0xaf: {  	s0 =	sadd.s32 @!p1 $0xBC7F, s28;
	[tilespmem:$0xA0] =	vst v2  }
0xb0: {  	[spmem:s14] =	stream.linear.scatter @!p1 [tilespmem:s0], [sflag:$0x1], $0x1, $0x38;
	[tilespmem:$0xD410] =	vst v63  }
0xb1: {  	s0 =	simm.s32 @!p1 $0x1  }
0xb2: {  	v2 =	vmctz.xlane @!p1 vm4;
	_ =	swait.ge @!p1 [sflag:s0], $0x1  }
0xb3: {  	(v2sf) =	vpush @!p1 v3, $0x0  }
0xb4: {  	(v2sf) =	vpush @!p1 v2, $0x0;
	_ =	sdelay $0xd  }
0xb5: {  	s2 =	spop @!p1 (v2sf)  }
0xb6: {  	s6 =	spop @!p1 (v2sf)  }
0xb7: {  	p2 =	sne.s32 @!p1 s26, s2;
	p3 =	slt.s32 @!p1 s6, $0xF  }
0xb8: {  	[sflag:s0] =	ssyncset.done @!p1 $0x0;
	p2 =	por p2, p1;
	p3 =	por !p3, p1  }
0xb9: {  	[sflag:s0] =	ssyncadd.s32 @!p1 $0xFFFFFFFF;
	v2 =	vimm.s32 @!p2 $0xFFFFFFFF;
	s6 =	simm.s32 @p3 $0xF  }
0xba: {  	[tilespmem:$0x80] =	vst @!p2 v2;
	s2 =	sadd.s32 @!p1 $0x90, s6  }
0xbb: {  	[spmem:s10] =	stream.linear.scatter @!p1 [tilespmem:s2], [sflag:$0x1], $0x1, $0x38;
	[tilespmem:$0xD410] =	vst v63  }
0xbc: {  	_ =	swait.ge @!p1 [sflag:s0], $0x1  }
0xbd: {  	[sflag:s0] =	ssyncset.done @!p1 $0x0  }
0xbe: {  	s2 =	simm.s32 @!p1 $0x80;
	[sflag:s0] =	ssyncadd.s32 @!p1 $0xFFFFFFFF  }
0xbf: {  	[spmem:s15] =	stream.linear.scatter @!p1 [tilespmem:s2], [sflag:$0x1], $0x1, $0x38;
	[tilespmem:$0xD410] =	vst v63  }
0xc0: {  	_ =	swait.ge @!p1 [sflag:s0], $0x1  }
0xc1: {  	[sflag:s0] =	ssyncset.done @!p1 $0x0  }
0xc2: {  	[sflag:s0] =	ssyncadd.s32 @!p1 $0xFFFFFFFF;
	(ifvalue) =	ssetifvalue $0xFFFFFFFF;
	v2 =	vld [tilespmem:s25+$0x10];
	_ =	sdelay $0x3  }
.Ltmp6:
0xc3: {  	_ = 	snop;
	(pc) =	sbr.rel .LBB2_9-.Ltmp6, $3  }
0xc4: {  	_ =	sdelay $0x1  }
0xc5: {  	(ifvalue) =	ssetifvalue $0xFFFFFFFF  }
0xc6: {  	[hbm4b:s1+s16] =	stream.indirect_vreg.scatter [tilespmem:s29], [sflag:$0x9], $0x1, v2, vm0, $0x4038;
	[tilespmem:$0xD410] =	vst v63  }
.LBB2_10:
0xc7: {  	_ =	sfence.sel $0x180000  }
0xc8: {  	s0 =	simm.s32 $0x7;
	[bflag:$0x0] =	sbarrier.arrive $0xFFFF  }
0xc9: {  	s26 =	simm.s32 $0x8;
	[sflag:s0] =	ssyncpa.u1 $0x1  }
0xca: {  	s28 =	simm.s32 $0x9;
	[sflag:s26] =	ssyncpa.u1 $0x1  }
0xcb: {  	[sflag:s28] =	ssyncpa.u1 $0x1  }
0xcc: {  	_ =	sfence.stream.spmem  }
0xcd: {  	s29 =	simm.s32 $0x3;
	[bflag:$0x0] =	sbarrier.arrive $0xFFFF  }
0xce: {  	s30 =	simm.s32 $0x4;
	[sflag:s29] =	ssyncpa.u1 $0x1  }
0xcf: {  	s31 =	simm.s32 $0x3C;
	s2 =	stileid.u32;
	[sflag:s30] =	ssyncpa.u1 $0x1  }
0xd0: {  	p0 =	sne.s32 s2, $0x0;
	[sflag:s31] =	ssyncpa.u1 $0x1  }
0xd1: {  	s0 =	simm.s32 @p0 $0x1;
	_ =	sfence @p0  }
0xd2: {  	[sflag:s0] =	ssyncpa.u1 @p0 $0x1;
	s0 =	simm.s32 @p0 $0x2  }
0xd3: {  	[sflag:s0] =	ssyncpa.u1 @p0 $0x1  }
0xd4: {  	_ =	strace @p0 $0x9000004A  }
0xd5: {  	[bflag:$0x2] =	sbarrier.arrive @p0 $0xFFFF  }
0xd6: {  	_ =	shalt @p0  }
.LBB2_11:
0xd7: {  	_ =	sfence.stream.spmem;
	s0 =	simm.s32 $0x5  }
0xd8: {  	s2 =	simm.s32 $0x80;
	s3 =	simm.s32 $0xC0;
	[sflag:s0] =	ssyncpa.u1 $0x0  }
0xd9: {  	[tilespmem:s3], [sflag:$0x5] =	stream.linear.gather [spmem:s2], $0x20, $0x38;
	[tilespmem:$0xD410] =	vst v63  }
0xda: {  	s2 =	simm.s32 $0x0;
	s3 =	simm.s32 $0xE0  }
0xdb: {  	[tilespmem:s3], [sflag:$0x5] =	stream.linear.gather [spmem:s2], $0x20, $0x38;
	[tilespmem:$0xD410] =	vst v63  }
.Ltmp7:
0xdc: {  	_ = 	snop;
	(pc) =	sbr.rel .LBB2_12-.Ltmp7, $4  }
0xdd: {  	_ =	swait.ge [sflag:s0], $0x40  }
0xde: {  	[sflag:s0] =	ssyncset.done $0x0  }
0xdf: {  	s31 =	simm.s32 $0x6;
	[sflag:s0] =	ssyncadd.s32 $0xFFFFFFC0  }
0xe0: {  	s4 =	simm.s32 $0x0;
	[sflag:s31] =	ssyncpa.u1 $0x0  }
.LBB2_17:
0xe1: {  	p0 =	sgt.u32 s5, $0xC7FFFF  }
0xe2: {  	s0 =	sshrl.u32 @!p0 s5, $0x3  }
0xe3: {  	s5 =	sand.u32 @!p0 $0x7, s5;
	s6 =	simm.s32 @!p0 $0xB0;
	s0 =	sadd.s32 @!p0 s1, s0  }
0xe4: {  	[tilespmem:s6], [sflag:$0x6] =	stream.linear.gather @!p0 [hbm4b:s0+s5], $0x1, $0x38;
	[tilespmem:$0xD410] =	vst v63  }
0xe5: {  	s0 =	simm.s32 @!p0 $0x6  }
0xe6: {  	_ =	swait.ge @!p0 [sflag:s0], $0x1  }
0xe7: {  	[sflag:s0] =	ssyncset.done @!p0 $0x0  }
0xe8: {  	[sflag:s0] =	ssyncadd.s32 @!p0 $0xFFFFFFFF  }
0xe9: {  	v2 =	vmov @!p0 s4;
	v1 =	vld.msk @!p0 [tilespmem:$0xB0], $0x1;
	_ =	sdelay $0x3  }
0xea: {  	s0 =	simm.s32 @!p0 $0xE0  }
0xeb: {  	[tilespmem:v2+s0+$0x0], v1 =	vst.idx.ret.add.s32.msk @!p0 $0x1, v1  }
0xec: {  	[tilespmem:s2+$0xC0] =	vst.msk $0x1, v0  }
0xed: {  	v0 =	vld.msk [tilespmem:s4+$0xE0], $0x1;
	_ =	sdelay $0x4  }
0xee: {  	[tilespmem:s2+$0xE0] =	vst.msk $0x1, v0;
	s2 =	sadd.s32 $0x1, s2  }
.LBB2_19:
0xef: {  	s4 =	sadd.s32 $0x1, s4  }
0xf0: {  	p0 =	sne.s32 s4, $0x20  }
.Ltmp8:
0xf1: {  	_ = 	snop;
	(pc) =	sbr.rel @!p0 .LBB2_20-.Ltmp8, $1  }
0xf2: {  	_ =	sdelay $0x3  }
.LBB2_12:
0xf3: {  	v0 =	vld.msk [tilespmem:s4+$0xC0], $0x1;
	_ =	sdelay $0x4  }
0xf4: {  	(v2sf) =	vpush v0, $0x0;
	_ =	sdelay $0xe  }
0xf5: {  	s5 =	spop (v2sf)  }
0xf6: {  	p0 =	seq.s32 s5, $0xFFFFFFFF  }
.Ltmp9:
0xf7: {  	_ = 	snop;
	(pc) =	sbr.rel @p0 .LBB2_19-.Ltmp9, $1  }
0xf8: {  	_ =	sdelay $0x3  }
0xf9: {  	p0 =	slt.s32 s2, $0x1  }
.Ltmp10:
0xfa: {  	_ = 	snop;
	(pc) =	sbr.rel @p0 .LBB2_17-.Ltmp10, $1  }
0xfb: {  	_ =	sdelay $0x3  }
0xfc: {  	s0 =	simm.s32 $0xC0;
	p0 =	por $0x0, $0x0  }
0xfd: {  	v1 =	vld.msk @!p0 [tilespmem:s0+$0x0], $0x1;
	_ =	sdelay $0x4  }
0xfe: {  	(v2sf) =	vpush @!p0 v1, $0x0;
	_ =	sdelay $0xd  }
0xff: {  	p2 =	sne.s32 s2, $0x1  }
.Ltmp11:
0x100: {  	s6 =	spop @!p0 (v2sf);
	(pc) =	sbr.rel @!p2 .LBB2_16-.Ltmp11, $4  }
0x101: {  	p1 =	seq.s32 @!p0 s5, s6  }
0x102: {  	s6 =	simm.s32 $0x0;
	p1 =	por !p1, p0  }
0x103: {  	s8 =	simm.s32 $0xFFFFFFFF;
	s6 =	simm.s32 @p1 $0xFFFFFFFF  }
0x104: {  	s7 =	simm.s32 $0x1;
	s6 =	smov.u32 @p0 s8  }
.LBB2_15:
0x105: {  	s8 =	smov.u32 s6;
	p0 =	sne.s32 s6, $0xFFFFFFFF  }
0x106: {  	s0 =	sadd.s32 $0x1, s0;
	s6 =	smov.u32 s7;
	s7 =	sadd.s32 $0x1, s7  }
0x107: {  	p1 =	sne.s32 s2, s7;
	v1 =	vld.msk @!p0 [tilespmem:s0+$0x0], $0x1;
	_ =	sdelay $0x4  }
0x108: {  	(v2sf) =	vpush @!p0 v1, $0x0;
	_ =	sdelay $0xe  }
.Ltmp12:
0x109: {  	s9 =	spop @!p0 (v2sf);
	(pc) =	sbr.rel @p1 .LBB2_15-.Ltmp12, $4  }
0x10a: {  	p2 =	seq.s32 @!p0 s5, s9  }
0x10b: {  	p2 =	por !p2, p0  }
0x10c: {  	s6 =	simm.s32 @p2 $0xFFFFFFFF  }
0x10d: {  	s6 =	smov.u32 @p0 s8  }
.LBB2_16:
0x10e: {  	p0 =	sne.s32 s6, $0xFFFFFFFF  }
.Ltmp13:
0x10f: {  	_ = 	snop;
	(pc) =	sbr.rel @!p0 .LBB2_17-.Ltmp13, $1  }
0x110: {  	_ =	sdelay $0x3  }
0x111: {  	v0 =	vld.msk [tilespmem:s4+$0xE0], $0x1;
	v1 =	vmov s6  }
.Ltmp14:
0x112: {  	_ = 	snop;
	(pc) =	sbr.rel .LBB2_19-.Ltmp14, $2  }
0x113: {  	_ =	sdelay $0x2  }
0x114: {  	[tilespmem:v1+s3+$0x0], v0 =	vst.idx.ret.add.s32.msk $0x1, v0  }
.LBB2_20:
0x115: {  	p0 =	slt.s32 s2, $0x1  }
.Ltmp15:
0x116: {  	_ = 	snop;
	(pc) =	sbr.rel @p0 .LBB2_24-.Ltmp15, $3  }
0x117: {  	_ =	sdelay $0x1  }
0x118: {  	s0 =	simm.s32 $0x6  }
0x119: {  	s3 =	simm.s32 $0x0;
	[sflag:s0] =	ssyncpa.u1 $0x1  }
0x11a: {  	s0 =	simm.s32 $0xC0  }
0x11b: {  	v0 =	vld.msk [tilespmem:s0+$0x0], $0x1;
	_ =	sdelay $0x4  }
0x11c: {  	(v2sf) =	vpush v0, $0x0;
	_ =	sdelay $0xe  }
0x11d: {  	s2 =	sadd.s32 $0xFFFFFFFF, s2;
	s4 =	spop (v2sf)  }
0x11e: {  	p1 =	sne.s32 s2, $0x0;
	p0 =	sgt.u32 s4, $0xC7FFFF  }
.Ltmp16:
0x11f: {  	s5 =	sshrl.u32 @!p0 s4, $0x3;
	(pc) =	sbr.rel @!p1 .LBB2_23-.Ltmp16, $4  }
0x120: {  	s0 =	simm.s32 $0xE0;
	s4 =	sand.u32 @!p0 $0x7, s4;
	s5 =	sadd.s32 @!p0 s1, s5  }
0x121: {  	[hbm4b:s5+s4] =	stream.linear.scatter @!p0 [tilespmem:s0], [sflag:$0x5], $0x1, $0x38;
	[tilespmem:$0xD410] =	vst v63  }
0x122: {  	s5 =	simm.s32 $0x0  }
0x123: {  	s4 =	simm.s32 $0xC1;
	s5 =	simm.s32 @!p0 $0x4  }
.LBB2_22:
0x124: {  	v0 =	vld.msk [tilespmem:s4+$0x0], $0x1;
	s2 =	sadd.s32 $0xFFFFFFFF, s2;
	s3 =	sadd.s32 s3, s5  }
0x125: {  	p0 =	sne.s32 s2, $0x0;
	_ =	sdelay $0x3  }
0x126: {  	(v2sf) =	vpush v0, $0x0;
	_ =	sdelay $0xe  }
.Ltmp17:
0x127: {  	s6 =	spop (v2sf);
	(pc) =	sbr.rel @p0 .LBB2_22-.Ltmp17, $4  }
0x128: {  	s5 =	simm.s32 $0x0;
	p1 =	sgt.u32 s6, $0xC7FFFF  }
0x129: {  	s0 =	sadd.s32 $0x1, s0;
	s5 =	simm.s32 @!p1 $0x4;
	s7 =	sshrl.u32 @!p1 s6, $0x3  }
0x12a: {  	s4 =	sadd.s32 $0x1, s4;
	s6 =	sand.u32 @!p1 $0x7, s6;
	s7 =	sadd.s32 @!p1 s1, s7  }
0x12b: {  	[hbm4b:s7+s6] =	stream.linear.scatter @!p1 [tilespmem:s0], [sflag:$0x5], $0x1, $0x38;
	[tilespmem:$0xD410] =	vst v63  }
.LBB2_23:
0x12c: {  	s0 =	sadd.s32 s3, s5  }
0x12d: {  	s3 =	sshrl.u32 s0, $0x2  }
.LBB2_24:
0x12e: {  	s0 =	simm.s32 $0x5  }
0x12f: {  	_ =	swait.ge [sflag:s0], s3  }
0x130: {  	s1 =	ssub.s32 $0x0, s3;
	[sflag:s0] =	ssyncset.done $0x0  }
0x131: {  	[sflag:s0] =	ssyncadd.s32 s1  }
0x132: {  	[sflag:s0] =	ssyncpa.u1 $0x1  }
0x133: {  	s29 =	simm.s32 $0x1;
	_ =	sfence  }
0x134: {  	s30 =	simm.s32 $0x2;
	[sflag:s29] =	ssyncpa.u1 $0x1  }
0x135: {  	[sflag:s30] =	ssyncpa.u1 $0x1  }
0x136: {  	_ =	strace $0x9000004A  }
0x137: {  	[bflag:$0x2] =	sbarrier.arrive $0xFFFF  }
0x138: {  	s31 =	rddreg [dreg:$0x1]  }
0x139: {  	s0 =	sadd.s32 $0x100000, s31  }
0x13a: {  	[sflag:s0] =	ssyncadd.tile.s32 $0x1;
	_ =	shalt  }
.Lfunc_end2:
_tile_overlayer_lowered:
.L_overlay_start_2:
0x13b: {  	(tag) =	ssettag $0x2  }
0x13c: {  	s0 =	rddreg [dreg:$0x0];
	s2 =	stileid.u32  }
0x13d: {  	s1 =	rddreg [dreg:$0x1];
	p0 =	sne.s32 s2, $0x0  }
0x13e: {  	s3 =	rddreg [dreg:$0x2];
	[bflag:$0x3] =	sbarrier.arrive $0xFFFF;
	s2 =	simm.s32 @!p0 $0x1C01  }
0x13f: {  	[timem:s3], [sflag:s2] =	dma.local @!p0 [hbm:s0], s1  }
0x140: {  	s0 =	simm.s32 @!p0 $0x1  }
0x141: {  	_ =	swait.ge @!p0 [sflag:s0], s1  }
0x142: {  	s1 =	ssub.s32 @!p0 $0x0, s1;
	[sflag:s0] =	ssyncset.done @!p0 $0x0  }
0x143: {  	[sflag:s0] =	ssyncadd.s32 @!p0 s1  }
0x144: {  	[bflag:$0x3] =	sbarrier.arrive $0xFFFF  }
0x145: {  	_ =	shalt  }

// kernel: scatter_offload_async_start
scs
__scs_entry_jumppad:
0x0: {  	(pc) =	sbr.rel $0x88, $3  }
0x1: {  	(tag) =	ssettag $0x0;
	lr =	simm.s32 $0x1  }
0x2: {  	[smem:$0x3F99] =	sst lr;
	_ =	strace $0xD0000000  }
0x3: {  	_ = 	snop  }
0x4: {  	_ = 	snop  }
0x5: {  	_ = 	snop  }
0x6: {  	_ = 	snop  }
0x7: {  	_ = 	snop  }
__scs_overlays_trampoline_lowered:
0x8: {  	[smem:$0x3FA8] =	sst s0  }
0x9: {  	[smem:$0x3FA9] =	sst s1  }
0xa: {  	[smem:$0x3FAA] =	sst s2  }
0xb: {  	[smem:$0x3FAB] =	sst s3  }
0xc: {  	[smem:$0x3FAC] =	sst s4  }
0xd: {  	[smem:$0x3FAD] =	sst s5  }
0xe: {  	[smem:$0x3FAE] =	sst s6  }
0xf: {  	[smem:$0x3FAF] =	sst s7  }
0x10: {  	[smem:$0x3FB0] =	sst s8  }
0x11: {  	[smem:$0x3FB1] =	sst s9;
	s0 =	simm.s32 @!p0 $0x0  }
0x12: {  	s1 =	sld [smem:$0x3F97];
	s0 =	simm.s32 @p0 $0x1  }
0x13: {  	[smem:$0x3FB2] =	sst s0;
	s0 =	simm.s32 @!p1 $0x0  }
0x14: {  	s2 =	sld [smem:$0x3F96];
	s0 =	simm.s32 @p1 $0x1  }
0x15: {  	[smem:$0x3FB3] =	sst s0;
	s0 =	simm.s32 @!p2 $0x0  }
0x16: {  	s3 =	sld [smem:$0x3FDB];
	s0 =	simm.s32 @p2 $0x1  }
0x17: {  	s4 =	simm.s32 $0x1BF5;
	[smem:$0x3FB5] =	sst s0  }
0x18: {  	s0 =	sld [smem:$0x3F98];
	_ =	swait.ge [sflag:s4], $0x0  }
0x19: {  	s7 =	sld [smem:$0x3F99]  }
0x1a: {  	s8 =	sadd.s32 $0xFFFFE003, lr  }
0x1b: {  	s9 =	sadd.s32 $0xFFFFFEF7, lr;
	s5 =	simm.s32 $0xFFFFFFFF;
	p2 =	slt.u32 s8, $0xFFFFF086  }
0x1c: {  	p1 =	slt.u32 s9, $0xF7A;
	s5 =	simm.s32 @!p2 $0x0  }
0x1d: {  	s5 =	simm.s32 @p1 $0x1;
	p0 =	seq.s32 s7, s2  }
0x1e: {  	s7 =	smul.u32 @!p0 $0xF7A, s2;
	p2 =	seq.s32 @!p0 s5, $0x0  }
0x1f: {  	s9 =	smul.u32 $0xF7A, s1;
	s8 =	simm.s32 @!p0 $0x1BF5;
	p2 =	por !p2, p0  }
0x20: {  	[sflag:s8] =	ssyncset.s32 @!p0 $0xFFFFF086;
	s6 =	sadd.s32 @!p0 s3, s7;
	s7 =	simm.s32 @!p0 $0x108  }
0x21: {  	s3 =	sadd.s32 s3, s9;
	s6 =	sadd.s32 @!p0 $0x88, s6;
	s7 =	simm.s32 @p2 $0x1082  }
0x22: {  	[simem:s7], [sflag:s8] =	dma.local @!p0 [hbm:s6], $0xF7A  }
0x23: {  	s9 =	sor.u32 $0xD0000000, s2;
	s6 =	simm.s32 $0x108;
	_ =	swait.ge @!p0 [sflag:s8], $0x0  }
0x24: {  	s3 =	sadd.s32 $0x88, s3;
	s6 =	simm.s32 @!p1 $0x1082;
	[sflag:s4] =	ssyncset.s32 $0xFFFFF086  }
0x25: {  	[simem:s6], [sflag:s4] =	dma.local [hbm:s3], $0xF7A  }
0x26: {  	[smem:$0x3F99] =	sst s1;
	(tag) =	ssettag s2;
	_ =	strace s9  }
0x27: {  	s1 =	sld [smem:$0x3FA9]  }
0x28: {  	s2 =	sld [smem:$0x3FAA]  }
0x29: {  	s4 =	sld [smem:$0x3FAC]  }
0x2a: {  	p0 =	seq.s32 s5, $0x0;
	s5 =	sld [smem:$0x3FAD]  }
0x2b: {  	s6 =	sld [smem:$0x3FAE]  }
0x2c: {  	s7 =	sld [smem:$0x3FAF]  }
0x2d: {  	s3 =	simm.s32 $0x108;
	s8 =	sld [smem:$0x3FB0]  }
0x2e: {  	s3 =	simm.s32 @!p0 $0x1082;
	s9 =	sld [smem:$0x3FB1]  }
0x2f: {  	lr =	sadd.s32 s0, s3;
	s0 =	sld [smem:$0x3FA8]  }
0x30: {  	s3 =	sld [smem:$0x3FAB]  }
0x31: {  	[smem:$0x3FB4] =	sst s10  }
0x32: {  	s10 =	sld [smem:$0x3FB2];
	_ =	sdelay $0x3  }
0x33: {  	p0 =	seq.s32 s10, $0x1;
	s10 =	sld [smem:$0x3FB4];
	_ =	sdelay $0x3  }
0x34: {  	[smem:$0x3FB4] =	sst s10  }
0x35: {  	s10 =	sld [smem:$0x3FB3];
	_ =	sdelay $0x3  }
0x36: {  	p1 =	seq.s32 s10, $0x1;
	s10 =	sld [smem:$0x3FB4];
	_ =	sdelay $0x3  }
0x37: {  	[smem:$0x3FB4] =	sst s10  }
0x38: {  	s10 =	sld [smem:$0x3FB5]  }
0x39: {  	_ = 	snop;
	(pc) =	sbr.ind lr, $3  }
0x3a: {  	_ = 	snop  }
0x3b: {  	_ = 	snop  }
0x3c: {  	p2 =	seq.s32 s10, $0x1;
	s10 =	sld [smem:$0x3FB4]  }
0x3d: {  	_ =	shalt  }
0x3e: {  	_ =	shalt  }
0x3f: {  	_ =	shalt  }
0x40: {  	_ =	shalt  }
0x41: {  	_ =	shalt  }
0x42: {  	_ =	shalt  }
0x43: {  	_ =	shalt  }
0x44: {  	_ =	shalt  }
0x45: {  	_ =	shalt  }
0x46: {  	_ =	shalt  }
0x47: {  	_ =	shalt  }
0x48: {  	_ =	shalt  }
0x49: {  	_ =	shalt  }
0x4a: {  	_ =	shalt  }
0x4b: {  	_ =	shalt  }
0x4c: {  	_ =	shalt  }
0x4d: {  	_ =	shalt  }
0x4e: {  	_ =	shalt  }
0x4f: {  	_ =	shalt  }
0x50: {  	_ =	shalt  }
0x51: {  	_ =	shalt  }
0x52: {  	_ =	shalt  }
0x53: {  	_ =	shalt  }
0x54: {  	_ =	shalt  }
0x55: {  	_ =	shalt  }
0x56: {  	_ =	shalt  }
0x57: {  	_ =	shalt  }
0x58: {  	_ =	shalt  }
0x59: {  	_ =	shalt  }
0x5a: {  	_ =	shalt  }
0x5b: {  	_ =	shalt  }
0x5c: {  	_ =	shalt  }
0x5d: {  	_ =	shalt  }
0x5e: {  	_ =	shalt  }
0x5f: {  	_ =	shalt  }
0x60: {  	_ =	shalt  }
0x61: {  	_ =	shalt  }
0x62: {  	_ =	shalt  }
0x63: {  	_ =	shalt  }
0x64: {  	_ =	shalt  }
0x65: {  	_ =	shalt  }
0x66: {  	_ =	shalt  }
0x67: {  	_ =	shalt  }
0x68: {  	_ =	shalt  }
0x69: {  	_ =	shalt  }
0x6a: {  	_ =	shalt  }
0x6b: {  	_ =	shalt  }
0x6c: {  	_ =	shalt  }
0x6d: {  	_ =	shalt  }
0x6e: {  	_ =	shalt  }
0x6f: {  	_ =	shalt  }
0x70: {  	_ =	shalt  }
0x71: {  	_ =	shalt  }
0x72: {  	_ =	shalt  }
0x73: {  	_ =	shalt  }
0x74: {  	_ =	shalt  }
0x75: {  	_ =	shalt  }
0x76: {  	_ =	shalt  }
0x77: {  	_ =	shalt  }
0x78: {  	_ =	shalt  }
0x79: {  	_ =	shalt  }
0x7a: {  	_ =	shalt  }
0x7b: {  	_ =	shalt  }
0x7c: {  	_ =	shalt  }
0x7d: {  	_ =	shalt  }
0x7e: {  	_ =	shalt  }
0x7f: {  	_ =	shalt  }
0x80: {  	_ =	shalt  }
0x81: {  	_ =	shalt  }
0x82: {  	_ =	shalt  }
0x83: {  	_ =	shalt  }
0x84: {  	_ =	shalt  }
0x85: {  	_ =	shalt  }
0x86: {  	_ =	shalt  }
0x87: {  	_ =	shalt  }
.Lfunc_end0:
.L_simem_size_0:
called_computation_lowered:
.L_overlay_start_0:
0x88: {  	s0 =	sld [smem:$0x3FD9]  }
0x89: {  	s1 =	sld [smem:$0x3FFE];
	_ =	sdelay $0x3  }
0x8a: {  	s0 =	sadd.s32 s1, s0  }
0x8b: {  	[smem:$0x3FC0] =	sst s0  }
0x8c: {  	_ = 	snop  }
0x8d: {  	(tm) =	ssettm $0x1  }
0x8e: {  	s15 =	sld [smem:$0x3FFB];
	_ =	sdelay $0x3  }
0x8f: {  	_ =	strace s15  }
0x90: {  	s0 =	sld [smem:$0x3FFC];
	_ =	sdelay $0x3  }
0x91: {  	_ =	strace s0  }
0x92: {  	s0 =	sld [smem:$0x3FFD];
	_ =	sdelay $0x3  }
0x93: {  	_ =	strace s0  }
0x94: {  	_ =	strace $0x8FFFFFFF  }
0x95: {  	s16 =	sld [smem:$0x3FDB];
	_ =	sdelay $0x1  }
0x96: {  	s17 =	simm.s32 $_scs_section_size  }
0x97: {  	s2 =	simm.s32 $_size__tile_overlayer_lowered;
	s3 =	simm.s32 $_tile_overlayer_lowered  }
0x98: {  	s20 =	simm.s32 $0x1BFF;
	s19 =	sshll.u32 s3, $0x1;
	s0 =	sadd.s32 s17, s16  }
0x99: {  	s4 =	simm.s32 $0x0;
	s18 =	sshll.u32 s2, $0x1;
	s2 =	sadd.s32 s19, s0  }
0x9a: {  	[timem:s4], [sflag:s20] =	dma.local [hbm:s2], s18  }
0x9b: {  	_ =	swait.ge [sflag:s20], s18  }
0x9c: {  	s1 =	ssub.s32 $0x0, s18;
	[sflag:s20] =	ssyncset.done $0x0  }
0x9d: {  	[sflag:s20] =	ssyncadd.s32 s1;
	_ =	sdelay $0x1  }
0x9e: {  	s21 =	simm.s32 $0x1B8B  }
0x9f: {  	_ =	swait.ge [sflag:s21], $0x1  }
0xa0: {  	[sflag:s21] =	ssyncset.done $0x0  }
0xa1: {  	s23 =	simm.s32 $0x1B8E;
	s22 =	sld [smem:$0x3FFE];
	[sflag:s21] =	ssyncadd.s32 $0xFFFFFFFF  }
0xa2: {  	s24 =	simm.s32 $execute0_lowered;
	[smem:$0x3FD2] =	sst s23  }
0xa3: {  	s2 =	sshll.u32 s24, $0x1;
	_ =	strace $0x80000046;
	[dreg:$0x1] =	wrdreg $0xFFFFFFFF  }
0xa4: {  	s25 =	simm.s32 $_size_execute0_lowered;
	s0 =	sadd.s32 s0, s2;
	[dreg:$0x0] =	wrdreg $0x0  }
0xa5: {  	s2 =	sshll.u32 s25, $0x1;
	[dreg:$0x2] =	wrdreg s0  }
0xa6: {  	[dreg:$0x3] =	wrdreg s2  }
0xa7: {  	[dreg:$0x4] =	wrdreg $0xC0  }
0xa8: {  	_ =	task [dreg:s4], $0x5FFFF  }
0xa9: {  	[dreg:$0x1] =	wrdreg $0xFFFFFFFF  }
0xaa: {  	[dreg:$0x0] =	wrdreg $0x60  }
0xab: {  	[dreg:$0x2] =	wrdreg s22  }
0xac: {  	[dreg:$0x3] =	wrdreg $0x9  }
0xad: {  	_ =	task.clear_ibuf [dreg:s4], $0x4FFFF;
	_ =	strace $0x90000046  }
0xae: {  	s26 =	simm.s32 $0x9;
	_ =	strace $0x80000048  }
0xaf: {  	_ =	swait.ge [sflag:s26], $0x1  }
0xb0: {  	[sflag:s26] =	ssyncadd.s32 $0xFFFFFFFF  }
0xb1: {  	_ =	strace $0x90000048  }
0xb2: {  	_ =	sfence  }
0xb3: {  	s28 =	sld [smem:$0x0];
	_ =	sdelay $0x1  }
0xb4: {  	s29 =	srdreg.scid  }
0xb5: {  	s30 =	sshll.u32 s29, $0xD;
	s31 =	sshrl.u32 s29, $0x2  }
0xb6: {  	s1 =	sand.u32 $0x1, s29;
	s2 =	sand.u32 $0x4000, s30;
	s0 =	sadd.s32 s31, s28  }
0xb7: {  	s1 =	sor.u32 s2, s1;
	s0 =	sshll.u32 s0, $0x11  }
0xb8: {  	s0 =	sor.u32 s0, s1  }
0xb9: {  	s0 =	sadd.s32 $0x8F2B, s0  }
0xba: {  	[sflag:s0] =	ssyncadd.remote.s32 $0x1  }
0xbb: {  	_ =	sfence.sel $0xFFFF  }
0xbc: {  	[dreg:$0x0] =	wrdreg $0xFFFFFFFF;
	(pc) =	sbr.abs _section_cstart, $3  }
0xbd: {  	[dreg:$0x1] =	wrdreg $0xFFFFFFFF  }
0xbe: {  	_ =	task.clear_ibuf [dreg:s4], $0x2FFFF;
	_ =	strace $0x9FFFFFFF  }
0xbf: {  	(tm) =	ssettm $0x7FFFFFFF  }
tec
execute0_lowered:
.L_overlay_start_1:
0x0: {  	(tag) =	ssettag $0x1  }
0x1: {  	s0 =	rddreg [dreg:$0x0]  }
0x2: {  	s6 =	stileid.u32;
	_ =	strace $0x80000047;
	s2 =	simm.s32 $0x1  }
0x3: {  	v1 =	vimm.s32 $0xFFFFFFFF;
	s1 =	smul.u32 $0x3, s6;
	[sflag:s2] =	ssyncpa.u1 $0x0  }
0x4: {  	s3 =	smin.u32 s6, $0x7;
	[tilespmem:$0x10] =	vst v1  }
0x5: {  	v0 =	vimm.f32 $0.0e+00;
	[tilespmem:$0x20] =	vst v1;
	s1 =	sadd.s32 s3, s1  }
0x6: {  	p0 =	slt.u32 s6, $0x7;
	[tilespmem:$0x30] =	vst v0;
	s3 =	smul.u32 $0x1770, s1;
	s1 =	simm.s32 $0x5DC0  }
0x7: {  	[tilespmem:$0x40] =	vst v0;
	s1 =	simm.s32 @!p0 $0x4650  }
0x8: {  	[tilespmem:$0x50] =	vst v0;
	s1 =	sadd.s32 s1, s3  }
0x9: {  	[tilespmem:$0x60] =	vst v1;
	s4 =	smin.u32 s1, $0x50910  }
0xa: {  	s7 =	simm.s32 $0x2;
	[tilespmem:$0x70] =	vst v1;
	s9 =	ssub.s32 s4, s3  }
0xb: {  	s8 =	simm.s32 $0x8;
	s31 =	simm.s32 $0x9;
	[tilespmem:$0x80] =	vst v1;
	p0 =	sgt.s32 s9, $0x0  }
0xc: {  	s16 =	simm.s32 $0x0;
	s17 =	simm.s32 $0xF0;
	v1 =	vimm.s32 $0x0;
	[tilespmem:$0xB0] =	vst v0;
	s9 =	simm.s32 @!p0 $0x0  }
0xd: {  	s18 =	simm.s32 $0xFFFFFFFF;
	s19 =	simm.s32 $0xFFFFD220;
	[tilespmem:$0x90] =	vst v1;
	s5 =	smulhi.u32 $0x57619F1, s9  }
0xe: {  	s20 =	simm.s32 $0xFFFFFFFE;
	[tilespmem:$0xA0] =	vst v1;
	[sflag:s7] =	ssyncpa.u1 $0x0;
	s7 =	simm.s32 $0x7  }
0xf: {  	s21 =	simm.s32 $0xF;
	[sflag:s7] =	ssyncpa.u1 $0x0;
	s10 =	sshrl.u32 s5, $0x7  }
0x10: {  	s25 =	simm.s32 $0x0;
	[sflag:s8] =	ssyncpa.u1 $0x0;
	s11 =	smul.u32 $0x1770, s10  }
0x11: {  	s24 =	simm.s32 $0x0;
	s14 =	sshllo.u32 s6, $0x1;
	[sflag:s31] =	ssyncpa.u1 $0x0  }
.Ltmp0:
0x12: {  	s1 =	sadd.s32 $0x29600, s0;
	p0 =	sne.s32 s9, s11;
	(pc) =	sbr.rel .LBB2_1-.Ltmp0, $4  }
0x13: {  	s5 =	sadd.s32 $0x15200, s0;
	s0 =	sadd.s32 $0x1F400, s0;
	s2 =	simm.s32 @!p0 $0x0  }
0x14: {  	s23 =	smov.u32 s3;
	[dreg:$0x2] =	wrdreg s0;
	s9 =	sadd.s32 s2, s10  }
0x15: {  	vm0 =	vmmov $0xffff;
	v2 =	vlaneseq.u32;
	p0 =	por $0x0, $0x0;
	s10 =	sshll.u32 s6, $0x1;
	s11 =	sadd.s32 $0x1, s9  }
0x16: {  	vm1 =	vmxor vm1, vm1;
	vm2 =	vmmov $0x1;
	vm3 =	vcmask $0x3F3C;
	s12 =	sadd.s32 $0x2, s9;
	s13 =	sor.u32 $0x81, s10;
	s15 =	sor.u32 $0x80, s10  }
.LBB2_9:
0x17: {  	p1 =	slt.u32 s24, $0x3  }
0x18: {  	s0 =	simm.s32 @!p1 $0x2  }
0x19: {  	_ =	swait.ge @!p1 [sflag:s0], $0x1770  }
0x1a: {  	[sflag:s0] =	ssyncset.done @!p1 $0x0  }
0x1b: {  	[sflag:s0] =	ssyncadd.s32 @!p1 $0xFFFFE890;
	s0 =	simm.s32 @!p1 $0x9  }
0x1c: {  	_ =	swait.ge @!p1 [sflag:s0], $0x10  }
0x1d: {  	[sflag:s0] =	ssyncset.done @!p1 $0x0  }
0x1e: {  	[sflag:s0] =	ssyncadd.s32 @!p1 $0xFFFFFFF0;
	p1 =	sne.s32 s24, s12  }
.Ltmp1:
0x1f: {  	s2 =	sadd.s32 $0x1770, s23;
	(pc) =	sbr.rel @!p1 .LBB2_10-.Ltmp1, $4  }
0x20: {  	s6 =	smov.u32 s3;
	s31 =	sadd.s32 $0x1, s24;
	s17 =	sadd.s32 $0x1770, s17  }
0x21: {  	s18 =	sadd.s32 $0x1, s18;
	s25 =	smov.u32 s23;
	p2 =	slt.s32 s2, s4  }
0x22: {  	p0 =	por !p0, !p0;
	s19 =	sadd.s32 $0x1770, s19;
	s6 =	smov.u32 @p2 s2  }
0x23: {  	s20 =	sadd.s32 $0x1, s20;
	s23 =	smov.u32 s6;
	s24 =	smov.u32 s31  }
.LBB2_1:
0x24: {  	p1 =	sge.u32 s24, s9  }
0x25: {  	s0 =	smulhi.u32 @!p1 $0xAAAAAAAB, s24;
	_ =	sdelay $0x1  }
0x26: {  	s0 =	sshrl.u32 @!p1 s0, $0x1  }
0x27: {  	s0 =	smul.u32 @!p1 $0x3, s0;
	_ =	sdelay $0x1  }
0x28: {  	s0 =	ssub.s32 @!p1 s24, s0  }
0x29: {  	s0 =	smul.u32 @!p1 $0x5DC0, s0;
	_ =	sdelay $0x1  }
0x2a: {  	s2 =	sshrl.u32 @!p1 s23, $0x3;
	s0 =	sshrl.u32 @!p1 s0, $0x2  }
0x2b: {  	s22 =	sand.u32 @!p1 $0x7, s23;
	s2 =	sadd.s32 @!p1 s5, s2;
	s0 =	sadd.s32 @!p1 $0x100, s0  }
0x2c: {  	[tilespmem:s0], [sflag:$0x7] =	stream.linear.gather @!p1 [hbm4b:s2+s22], $0x1770, $0x38;
	[tilespmem:$0xD410] =	vst v63  }
0x2d: {  	s0 =	sadd.s32 $0xFFFFFFFF, s24  }
0x2e: {  	p1 =	sge.u32 s0, s9  }
.Ltmp2:
0x2f: {  	_ = 	snop;
	(pc) =	sbr.rel @p1 .LBB2_5-.Ltmp2, $1  }
0x30: {  	_ =	sdelay $0x3  }
0x31: {  	s2 =	smulhi.u32 $0xAAAAAAAB, s0;
	_ =	sdelay $0x1  }
0x32: {  	s2 =	sshrl.u32 s2, $0x1  }
0x33: {  	s2 =	smul.u32 $0x3, s2;
	_ =	sdelay $0x1  }
0x34: {  	s2 =	ssub.s32 s0, s2  }
0x35: {  	s2 =	smul.u32 $0x5DC0, s2  }
0x36: {  	_ =	swait.ge [sflag:s7], $0x1770  }
0x37: {  	[sflag:s7] =	ssyncset.done $0x0;
	s2 =	sshrl.u32 s2, $0x2  }
0x38: {  	[sflag:s7] =	ssyncadd.s32 $0xFFFFE890;
	(ifvalue) =	ssetifvalue $0xFFFFFFFF;
	v3 =	vld.msk [tilespmem:s2+$0x100 ss:$0x1], $0xffff;
	_ =	sdelay $0x2  }
0x39: {  	s30 =	smulhi.u32 $0xAAAAAAAB, s18;
	p1 =	sne.s32 s24, $0x1  }
0x3a: {  	v4 =	vimm.s32 @!p1 $0x0  }
0x3b: {  	s2 =	sshrl.u32 s30, $0x1;
	v4 =	vperm.xlane @!p1 v3, v4  }
0x3c: {  	s22 =	sshll.u32 s24, $0x4;
	s2 =	smul.u32 $0xFFFEE6C0, s2;
	vm4 =	vlt.u32 v3, $0x2800  }
0x3d: {  	s22 =	sand.u32 $0x10, s22;
	v3 =	vnsel vm4, $0xFFFFFFFE, v3;
	vm4 =	vlt.u32 @!p1 v4, $0x2800  }
0x3e: {  	s2 =	sshra.s32 s2, $0x2;
	[tilespmem:s22+$0x60] =	vst v3;
	v3 =	vnsel @!p1 vm4, $0xFFFFFFFE, v4  }
0x3f: {  	s28 =	sadd.s32 s2, s17;
	[tilespmem:$0x80] =	vst @!p1 v3  }
0x40: {  	v3 =	vld.msk [tilespmem:s28+$0x0 ss:$0x1], $0xffff;
	_ =	sdelay $0x4  }
0x41: {  	(xrf1) =	vunique.msk.u32 $0xffff, v3;
	_ =	sdelay $0xd  }
0x42: {  	v4 =	vimm.s32 $0xFFFFFFFF;
	v5, _, _ =	vpop (xrf1)  }
0x43: {  	vm5 =	vne.s32 v3, v4;
	vm4 =	veq.s32 v5, v2  }
0x44: {  	vm6 =	vlt.u32 v3, $0x2800;
	vm4 =	vmand vm5, vm4  }
0x45: {  	vm4 =	vmand vm6, vm4  }
0x46: {  	v4 =	vnsel vm4, $0xFFFFFFFF, v3  }
0x47: {  	s31 =	sand.u32 $0x1, s0  }
0x48: {  	s0 =	simm.s32 $0x1770;
	p1 =	seq.s32 s31, $0x1  }
0x49: {  	s0 =	simm.s32 @!p1 $0x0  }
0x4a: {  	s26 =	sadd.s32 $0x5EB0, s0;
	(ifvalue) =	ssetifvalue $0xFFFFFFFF  }
0x4b: {  	v3 =	vperm.xlane v3, v1;
	[tilespmem:s26], [sflag:$0x8] =	stream.indirect_vreg.gather [hbm4b:s1+s16], $0x1, v4, vm0, $0x4038;
	v4 =	vnsel vm6, $0xFFFFFFFE, v4;
	[tilespmem:$0xD410] =	vst v63  }
0x4c: {  	s2 =	simm.s32 $0x0;
	s22 =	sadd.s32 $0xFFFFFFF0, s28;
	[tilespmem:s28+$0x0] =	vst v4  }
.LBB2_3:
0x4d: {  	v4 =	vld.msk [tilespmem:s22+$0x0 ss:$0x1], $0xffff;
	s2 =	sadd.s32 $0x10, s2;
	v5 =	vmov v3;
	s28 =	smov.u32 s22  }
0x4e: {  	p1 =	slt.u32 s2, $0x1760;
	_ =	sdelay $0x4  }
0x4f: {  	v3 =	vperm.xlane v4, v1;
	(xrf1) =	vunique.msk.u32 $0xffff, v4;
	_ =	sdelay $0xd  }
0x50: {  	v6, _, _ =	vpop (xrf1)  }
0x51: {  	vm5 =	vne.s32 v4, v5;
	vm4 =	veq.s32 v6, v2  }
0x52: {  	vm6 =	vlt.u32 v4, $0x2800;
	vm4 =	vmand vm5, vm4  }
0x53: {  	vm4 =	vmand vm6, vm4  }
0x54: {  	v4 =	vnsel vm4, $0xFFFFFFFF, v4  }
.Ltmp3:
0x55: {  	v5 =	vnsel vm6, $0xFFFFFFFE, v4;
	(pc) =	sbr.rel @p1 .LBB2_3-.Ltmp3, $3  }
0x56: {  	_ =	sdelay $0x1  }
0x57: {  	s22 =	sadd.s32 $0xFFFFFFF0, s22;
	s26 =	sadd.s32 $0xFFFFFFF0, s26;
	(ifvalue) =	ssetifvalue $0xFFFFFFFF  }
0x58: {  	[tilespmem:s26], [sflag:$0x8] =	stream.indirect_vreg.gather [hbm4b:s1+s16], $0x1, v4, vm0, $0x4038;
	[tilespmem:s28+$0x0] =	vst v5  }
0x59: {  	s2 =	sshrl.u32 s25, $0x3;
	s6 =	rddreg [dreg:$0x2]  }
0x5a: {  	s0 =	sadd.s32 $0x7630, s0;
	s2 =	sadd.s32 s6, s2  }
0x5b: {  	[tilespmem:s0], [sflag:$0x8] =	stream.linear.gather [hbm:s2], $0x1770, $0x38;
	[tilespmem:$0xD410] =	vst v63  }
.LBB2_5:
0x5c: {  	p1 =	slt.u32 s24, $0x2  }
0x5d: {  	p2 =	sge.u32 @!p1 s24, s12  }
0x5e: {  	p1 =	por p1, p2  }
.Ltmp4:
0x5f: {  	_ = 	snop;
	(pc) =	sbr.rel @p1 .LBB2_9-.Ltmp4, $1  }
0x60: {  	_ =	sdelay $0x3  }
0x61: {  	s0 =	sadd.s32 $0xFFFFFFFE, s24  }
0x62: {  	s2 =	smulhi.u32 $0xAAAAAAAB, s0;
	_ =	sdelay $0x1  }
0x63: {  	s2 =	sshrl.u32 s2, $0x1  }
0x64: {  	s2 =	smul.u32 $0x3, s2;
	_ =	sdelay $0x1  }
0x65: {  	s0 =	ssub.s32 s0, s2  }
0x66: {  	_ =	swait.ge [sflag:s8], $0x2EE0;
	s0 =	smul.u32 $0x1770, s0  }
0x67: {  	p1 =	sne.s32 s24, s11;
	[sflag:s8] =	ssyncset.done $0x0  }
0x68: {  	[sflag:s8] =	ssyncadd.s32 $0xFFFFD120;
	s2 =	sadd.s32 @!p1 $0x186F, s0  }
0x69: {  	[spmem:s13] =	stream.linear.scatter @!p1 [tilespmem:s2], [sflag:$0x1], $0x1, $0x38;
	[tilespmem:$0xD410] =	vst v63  }
0x6a: {  	s2 =	simm.s32 @!p1 $0x1  }
0x6b: {  	_ =	swait.ge @!p1 [sflag:s2], $0x1  }
0x6c: {  	s22 =	sshll.u32 s24, $0x4;
	[sflag:s2] =	ssyncset.done @!p1 $0x0  }
0x6d: {  	s25 =	sand.u32 $0x10, s22;
	[sflag:s2] =	ssyncadd.s32 @!p1 $0xFFFFFFFF  }
0x6e: {  	s2 =	sxor.u32 $0x10, s25;
	v4 =	vld [tilespmem:s25+$0x10]  }
0x6f: {  	v5 =	vld [tilespmem:s2+$0x60]  }
0x70: {  	v3 =	vld [tilespmem:$0x80];
	_ =	sdelay $0x2  }
0x71: {  	(v2sf) =	vpush v4, $0x0  }
0x72: {  	(v2sf) =	vpush v5, $0x0  }
0x73: {  	(v2sf) =	vpush v3, $0x0;
	_ =	sdelay $0xc  }
0x74: {  	s6 =	spop (v2sf)  }
0x75: {  	s28 =	spop (v2sf)  }
0x76: {  	s26 =	spop (v2sf)  }
0x77: {  	p2 =	seq.s32 s6, s28;
	p3 =	seq.s32 s26, s6  }
0x78: {  	p3 =	por p2, p3  }
0x79: {  	s6 =	sand.u32 $0x1, s24;
	v4 =	vpsel p3, $0xFFFFFFFF, v4  }
0x7a: {  	s28 =	smul.u32 $0x1770, s6;
	[tilespmem:s25+$0x10] =	vst.msk $0x1, v4  }
0x7b: {  	v4 =	vld [tilespmem:$0x30]  }
0x7c: {  	v5 =	vld [tilespmem:s28+$0x7630]  }
0x7d: {  	v6 =	vld [tilespmem:s25+$0x40];
	_ =	sdelay $0x3  }
0x7e: {  	vm4 =	vmmov vm1;
	v5 =	vadd.f32 v5, v4  }
0x7f: {  	vm5 =	vmmov vm2;
	vm4 =	vmmov @p2 vm2;
	v4 =	vadd.f32 v6, v4  }
0x80: {  	s22 =	sshll.u32 s6, $0x4;
	vm5 =	vmmov @p3 vm1;
	[tilespmem:s28+$0x7630] =	vst.msk vm4, v5  }
0x81: {  	[tilespmem:s22+$0xD3F0] =	vst.msk vm5, v4  }
0x82: {  	v4 =	vld [tilespmem:s28+$0x5EB0];
	_ =	sdelay $0x3  }
0x83: {  	v5 =	vimm.f32 $0.0e+00  }
0x84: {  	v4 =	vshift.insert v4, v5, s21  }
0x85: {  	s29 =	sor.u32 $0x40, s2  }
0x86: {  	[tilespmem:s29+$0x0] =	vst.msk $0x1, v4  }
0x87: {  	[tilespmem:s28+$0x5EBF] =	vst.msk $0x1, v5  }
0x88: {  	v4 =	vld [tilespmem:s0+$0x1860];
	_ =	sdelay $0x1  }
0x89: {  	s29 =	smulhi.u32 $0xAAAAAAAB, s20;
	s0 =	simm.s32 $0x1  }
0x8a: {  	s0 =	simm.s32 @!p0 $0x0  }
0x8b: {  	s29 =	sshrl.u32 s29, $0x1;
	s0 =	smul.u32 $0x5DC0, s0  }
0x8c: {  	s29 =	smul.u32 $0xFFFEE6C0, s29;
	v4 =	vshift.insert v4, v1, s21  }
0x8d: {  	s0 =	sshrl.u32 s0, $0x2  }
0x8e: {  	s29 =	sshra.s32 s29, $0x2;
	s30 =	sadd.s32 $0x7630, s0;
	[tilespmem:s2+$0x10] =	vst.msk $0x1, v4  }
0x8f: {  	s6 =	sadd.s32 s29, s19;
	v6 =	vld [tilespmem:s30+$0x0]  }
0x90: {  	v7 =	vld [tilespmem:s6+$0x0];
	_ =	sdelay $0x3  }
0x91: {  	v5 =	vadd.f32 v6, v5  }
0x92: {  	vm4 =	vne.s32 v7, $0xFFFFFFFF  }
0x93: {  	(xrf2) =	vadd.seg.scan.f32 vm4, v5;
	_ =	sdelay $0x3  }
0x94: {  	s31 =	sadd.s32 $0x4750, s0;
	v5 =	vperm.xlane v4, v1  }
0x95: {  	v6 =	vld [tilespmem:s31+$0x0]  }
0x96: {  	vm5 =	veq.s32 v7, v3;
	vm6 =	veq.s32 v7, v5  }
0x97: {  	vm7 =	vgt.u32 v7, $0xFFFFFFFD;
	vm6 =	vmor vm6, vm5  }
0x98: {  	vm6 =	vmor vm6, vm7  }
0x99: {  	v9 =	vld [tilespmem:$0xA0];
	v7 =	vsel vm6, $0xFFFFFFFF, v7  }
0x9a: {  	v10 =	vld [tilespmem:$0x90];
	v6 =	vsel vm5, $0x0, v6;
	v8, _, _ =	vpop (xrf2)  }
0x9b: {  	v6 =	vadd.f32 v8, v6  }
0x9c: {  	s0 =	sadd.s32 $0xA510, s0  }
0x9d: {  	vm4 =	vmand vm4, vm3;
	[tilespmem:s0+$0x0] =	vst v6;
	(ifvalue) =	ssetifvalue $0xFFFFFFFF  }
0x9e: {  	vm6 =	veq.s32 v9, $0x1;
	[hbm4b:s1+s16] =	stream.indirect_vreg.scatter [tilespmem:s0], [sflag:$0x2], $0x1, v7, vm0, $0x4038;
	v7 =	vsel vm4, $0x0, v8;
	[tilespmem:$0xD410] =	vst v63  }
0x9f: {  	s29 =	sadd.s32 $0xD3F0, s22;
	s22 =	sadd.s32 $0x10, s6;
	s2 =	simm.s32 $0x0;
	vm4 =	vmor vm6, vm5;
	v6 =	vsel vm5, v8, v10;
	v7 =	vshift.insert v7, v0, s21  }
.LBB2_7:
0xa0: {  	v8 =	vld [tilespmem:s22+$0x0];
	s30 =	sadd.s32 $0x10, s30  }
0xa1: {  	s31 =	sadd.s32 $0x10, s31;
	v9 =	vld [tilespmem:s30+$0x0]  }
0xa2: {  	s2 =	sadd.s32 $0x10, s2;
	v10 =	vld [tilespmem:s31+$0x0]  }
0xa3: {  	p2 =	slt.u32 s2, $0x1760;
	_ =	sdelay $0x2  }
0xa4: {  	v7 =	vadd.f32 v9, v7  }
0xa5: {  	vm5 =	vne.s32 v8, $0xFFFFFFFF  }
0xa6: {  	vm6 =	vmand vm5, vm3;
	(xrf2) =	vadd.seg.scan.f32 vm5, v7;
	_ =	sdelay $0x5  }
0xa7: {  	vm7 =	veq.s32 v8, v5;
	vm5 =	veq.s32 v8, v3  }
0xa8: {  	vm8 =	vgt.u32 v8, $0xFFFFFFFD;
	vm4 =	vmor vm4, vm5;
	vm7 =	vmor vm7, vm5  }
0xa9: {  	vm7 =	vmor vm7, vm8  }
0xaa: {  	v8 =	vsel vm7, $0xFFFFFFFF, v8  }
.Ltmp5:
0xab: {  	v7 =	vsel vm5, $0x0, v10;
	v9, _, _ =	vpop (xrf2);
	(pc) =	sbr.rel @p2 .LBB2_7-.Ltmp5, $4  }
0xac: {  	v6 =	vsel vm5, v9, v6;
	v10 =	vadd.f32 v9, v7;
	v7 =	vsel vm6, $0x0, v9  }
0xad: {  	s0 =	sadd.s32 $0x10, s0;
	v7 =	vshift.insert v7, v0, s21  }
0xae: {  	s22 =	sadd.s32 $0x10, s22;
	[tilespmem:s0+$0x0] =	vst v10;
	(ifvalue) =	ssetifvalue $0xFFFFFFFF  }
0xaf: {  	[hbm4b:s1+s16] =	stream.indirect_vreg.scatter [tilespmem:s0], [sflag:$0x2], $0x1, v8, vm0, $0x4038;
	[tilespmem:$0xD410] =	vst v63  }
0xb0: {  	v3 =	vld [tilespmem:s28+$0xBC70];
	_ =	sdelay $0x4  }
0xb1: {  	v3 =	vshift.insert v3, v0, s21  }
0xb2: {  	s0 =	simm.s32 $0x30  }
0xb3: {  	[tilespmem:s0+$0x0] =	vst.msk $0x1, v3  }
0xb4: {  	v3 =	vsel vm4, $0x1, v1;
	[tilespmem:$0x90] =	vst v6  }
0xb5: {  	s0 =	sadd.s32 @!p1 $0xBC7F, s28;
	[tilespmem:$0xA0] =	vst v3  }
0xb6: {  	[spmem:s14] =	stream.linear.scatter @!p1 [tilespmem:s0], [sflag:$0x1], $0x1, $0x38;
	[tilespmem:$0xD410] =	vst v63  }
0xb7: {  	s0 =	simm.s32 @!p1 $0x1  }
0xb8: {  	v3 =	vmctz.xlane @!p1 vm4;
	_ =	swait.ge @!p1 [sflag:s0], $0x1  }
0xb9: {  	(v2sf) =	vpush @!p1 v4, $0x0  }
0xba: {  	(v2sf) =	vpush @!p1 v3, $0x0;
	_ =	sdelay $0xd  }
0xbb: {  	s2 =	spop @!p1 (v2sf)  }
0xbc: {  	s6 =	spop @!p1 (v2sf)  }
0xbd: {  	p2 =	sne.s32 @!p1 s26, s2;
	p3 =	slt.s32 @!p1 s6, $0xF  }
0xbe: {  	[sflag:s0] =	ssyncset.done @!p1 $0x0;
	p2 =	por p2, p1;
	p3 =	por !p3, p1  }
0xbf: {  	[sflag:s0] =	ssyncadd.s32 @!p1 $0xFFFFFFFF;
	v3 =	vimm.s32 @!p2 $0xFFFFFFFF;
	s6 =	simm.s32 @p3 $0xF  }
0xc0: {  	[tilespmem:$0x80] =	vst @!p2 v3;
	s2 =	sadd.s32 @!p1 $0x90, s6  }
0xc1: {  	[spmem:s10] =	stream.linear.scatter @!p1 [tilespmem:s2], [sflag:$0x1], $0x1, $0x38;
	[tilespmem:$0xD410] =	vst v63  }
0xc2: {  	_ =	swait.ge @!p1 [sflag:s0], $0x1  }
0xc3: {  	[sflag:s0] =	ssyncset.done @!p1 $0x0  }
0xc4: {  	s2 =	simm.s32 @!p1 $0x80;
	[sflag:s0] =	ssyncadd.s32 @!p1 $0xFFFFFFFF  }
0xc5: {  	[spmem:s15] =	stream.linear.scatter @!p1 [tilespmem:s2], [sflag:$0x1], $0x1, $0x38;
	[tilespmem:$0xD410] =	vst v63  }
0xc6: {  	_ =	swait.ge @!p1 [sflag:s0], $0x1  }
0xc7: {  	[sflag:s0] =	ssyncset.done @!p1 $0x0  }
0xc8: {  	[sflag:s0] =	ssyncadd.s32 @!p1 $0xFFFFFFFF;
	(ifvalue) =	ssetifvalue $0xFFFFFFFF;
	v3 =	vld [tilespmem:s25+$0x10];
	_ =	sdelay $0x3  }
.Ltmp6:
0xc9: {  	_ = 	snop;
	(pc) =	sbr.rel .LBB2_9-.Ltmp6, $3  }
0xca: {  	_ =	sdelay $0x1  }
0xcb: {  	(ifvalue) =	ssetifvalue $0xFFFFFFFF  }
0xcc: {  	[hbm4b:s1+s16] =	stream.indirect_vreg.scatter [tilespmem:s29], [sflag:$0x9], $0x1, v3, vm0, $0x4038;
	[tilespmem:$0xD410] =	vst v63  }
.LBB2_10:
0xcd: {  	_ =	sfence.sel $0x180000  }
0xce: {  	s0 =	simm.s32 $0x7;
	[bflag:$0x0] =	sbarrier.arrive $0xFFFF  }
0xcf: {  	s26 =	simm.s32 $0x8;
	[sflag:s0] =	ssyncpa.u1 $0x1  }
0xd0: {  	s28 =	simm.s32 $0x9;
	[sflag:s26] =	ssyncpa.u1 $0x1  }
0xd1: {  	[sflag:s28] =	ssyncpa.u1 $0x1  }
0xd2: {  	_ =	sfence.stream.spmem  }
0xd3: {  	s29 =	simm.s32 $0x3;
	[bflag:$0x0] =	sbarrier.arrive $0xFFFF  }
0xd4: {  	s30 =	simm.s32 $0x4;
	[sflag:s29] =	ssyncpa.u1 $0x1  }
0xd5: {  	s31 =	simm.s32 $0x3C;
	s2 =	stileid.u32;
	[sflag:s30] =	ssyncpa.u1 $0x1  }
0xd6: {  	p0 =	sne.s32 s2, $0x0;
	[sflag:s31] =	ssyncpa.u1 $0x1  }
0xd7: {  	s0 =	simm.s32 @p0 $0x1;
	_ =	sfence @p0  }
0xd8: {  	[sflag:s0] =	ssyncpa.u1 @p0 $0x1;
	s0 =	simm.s32 @p0 $0x2  }
0xd9: {  	[sflag:s0] =	ssyncpa.u1 @p0 $0x1  }
0xda: {  	_ =	strace @p0 $0x90000047  }
0xdb: {  	[bflag:$0x2] =	sbarrier.arrive @p0 $0xFFFF  }
0xdc: {  	_ =	shalt @p0  }
.LBB2_11:
0xdd: {  	_ =	sfence.stream.spmem;
	s0 =	simm.s32 $0x5  }
0xde: {  	s2 =	simm.s32 $0x80;
	s3 =	simm.s32 $0xC0;
	[sflag:s0] =	ssyncpa.u1 $0x0  }
0xdf: {  	[tilespmem:s3], [sflag:$0x5] =	stream.linear.gather [spmem:s2], $0x20, $0x38;
	[tilespmem:$0xD410] =	vst v63  }
0xe0: {  	s2 =	simm.s32 $0x0;
	s3 =	simm.s32 $0xE0  }
0xe1: {  	[tilespmem:s3], [sflag:$0x5] =	stream.linear.gather [spmem:s2], $0x20, $0x38;
	[tilespmem:$0xD410] =	vst v63  }
.Ltmp7:
0xe2: {  	_ = 	snop;
	(pc) =	sbr.rel .LBB2_12-.Ltmp7, $4  }
0xe3: {  	_ =	swait.ge [sflag:s0], $0x40  }
0xe4: {  	[sflag:s0] =	ssyncset.done $0x0  }
0xe5: {  	s31 =	simm.s32 $0x6;
	[sflag:s0] =	ssyncadd.s32 $0xFFFFFFC0  }
0xe6: {  	s4 =	simm.s32 $0x0;
	[sflag:s31] =	ssyncpa.u1 $0x0  }
.LBB2_17:
0xe7: {  	p0 =	sgt.u32 s5, $0x27FF  }
0xe8: {  	s0 =	sshrl.u32 @!p0 s5, $0x3  }
0xe9: {  	s5 =	sand.u32 @!p0 $0x7, s5;
	s6 =	simm.s32 @!p0 $0xB0;
	s0 =	sadd.s32 @!p0 s1, s0  }
0xea: {  	[tilespmem:s6], [sflag:$0x6] =	stream.linear.gather @!p0 [hbm4b:s0+s5], $0x1, $0x38;
	[tilespmem:$0xD410] =	vst v63  }
0xeb: {  	s0 =	simm.s32 @!p0 $0x6  }
0xec: {  	_ =	swait.ge @!p0 [sflag:s0], $0x1  }
0xed: {  	[sflag:s0] =	ssyncset.done @!p0 $0x0  }
0xee: {  	[sflag:s0] =	ssyncadd.s32 @!p0 $0xFFFFFFFF  }
0xef: {  	v2 =	vmov @!p0 s4;
	v1 =	vld.msk @!p0 [tilespmem:$0xB0], $0x1;
	_ =	sdelay $0x3  }
0xf0: {  	s0 =	simm.s32 @!p0 $0xE0  }
0xf1: {  	[tilespmem:v2+s0+$0x0], v1 =	vst.idx.ret.add.f32.msk @!p0 $0x1, v1  }
0xf2: {  	[tilespmem:s2+$0xC0] =	vst.msk $0x1, v0  }
0xf3: {  	v0 =	vld.msk [tilespmem:s4+$0xE0], $0x1;
	_ =	sdelay $0x4  }
0xf4: {  	[tilespmem:s2+$0xE0] =	vst.msk $0x1, v0;
	s2 =	sadd.s32 $0x1, s2  }
.LBB2_19:
0xf5: {  	s4 =	sadd.s32 $0x1, s4  }
0xf6: {  	p0 =	sne.s32 s4, $0x20  }
.Ltmp8:
0xf7: {  	_ = 	snop;
	(pc) =	sbr.rel @!p0 .LBB2_20-.Ltmp8, $1  }
0xf8: {  	_ =	sdelay $0x3  }
.LBB2_12:
0xf9: {  	v0 =	vld.msk [tilespmem:s4+$0xC0], $0x1;
	_ =	sdelay $0x4  }
0xfa: {  	(v2sf) =	vpush v0, $0x0;
	_ =	sdelay $0xe  }
0xfb: {  	s5 =	spop (v2sf)  }
0xfc: {  	p0 =	seq.s32 s5, $0xFFFFFFFF  }
.Ltmp9:
0xfd: {  	_ = 	snop;
	(pc) =	sbr.rel @p0 .LBB2_19-.Ltmp9, $1  }
0xfe: {  	_ =	sdelay $0x3  }
0xff: {  	p0 =	slt.s32 s2, $0x1  }
.Ltmp10:
0x100: {  	_ = 	snop;
	(pc) =	sbr.rel @p0 .LBB2_17-.Ltmp10, $1  }
0x101: {  	_ =	sdelay $0x3  }
0x102: {  	s0 =	simm.s32 $0xC0;
	p0 =	por $0x0, $0x0  }
0x103: {  	v1 =	vld.msk @!p0 [tilespmem:s0+$0x0], $0x1;
	_ =	sdelay $0x4  }
0x104: {  	(v2sf) =	vpush @!p0 v1, $0x0;
	_ =	sdelay $0xd  }
0x105: {  	p2 =	sne.s32 s2, $0x1  }
.Ltmp11:
0x106: {  	s6 =	spop @!p0 (v2sf);
	(pc) =	sbr.rel @!p2 .LBB2_16-.Ltmp11, $4  }
0x107: {  	p1 =	seq.s32 @!p0 s5, s6  }
0x108: {  	s6 =	simm.s32 $0x0;
	p1 =	por !p1, p0  }
0x109: {  	s8 =	simm.s32 $0xFFFFFFFF;
	s6 =	simm.s32 @p1 $0xFFFFFFFF  }
0x10a: {  	s7 =	simm.s32 $0x1;
	s6 =	smov.u32 @p0 s8  }
.LBB2_15:
0x10b: {  	s8 =	smov.u32 s6;
	p0 =	sne.s32 s6, $0xFFFFFFFF  }
0x10c: {  	s0 =	sadd.s32 $0x1, s0;
	s6 =	smov.u32 s7;
	s7 =	sadd.s32 $0x1, s7  }
0x10d: {  	p1 =	sne.s32 s2, s7;
	v1 =	vld.msk @!p0 [tilespmem:s0+$0x0], $0x1;
	_ =	sdelay $0x4  }
0x10e: {  	(v2sf) =	vpush @!p0 v1, $0x0;
	_ =	sdelay $0xe  }
.Ltmp12:
0x10f: {  	s9 =	spop @!p0 (v2sf);
	(pc) =	sbr.rel @p1 .LBB2_15-.Ltmp12, $4  }
0x110: {  	p2 =	seq.s32 @!p0 s5, s9  }
0x111: {  	p2 =	por !p2, p0  }
0x112: {  	s6 =	simm.s32 @p2 $0xFFFFFFFF  }
0x113: {  	s6 =	smov.u32 @p0 s8  }
.LBB2_16:
0x114: {  	p0 =	sne.s32 s6, $0xFFFFFFFF  }
.Ltmp13:
0x115: {  	_ = 	snop;
	(pc) =	sbr.rel @!p0 .LBB2_17-.Ltmp13, $1  }
0x116: {  	_ =	sdelay $0x3  }
0x117: {  	v0 =	vld.msk [tilespmem:s4+$0xE0], $0x1;
	v1 =	vmov s6  }
.Ltmp14:
0x118: {  	_ = 	snop;
	(pc) =	sbr.rel .LBB2_19-.Ltmp14, $2  }
0x119: {  	_ =	sdelay $0x2  }
0x11a: {  	[tilespmem:v1+s3+$0x0], v0 =	vst.idx.ret.add.f32.msk $0x1, v0  }
.LBB2_20:
0x11b: {  	p0 =	slt.s32 s2, $0x1  }
.Ltmp15:
0x11c: {  	_ = 	snop;
	(pc) =	sbr.rel @p0 .LBB2_24-.Ltmp15, $3  }
0x11d: {  	_ =	sdelay $0x1  }
0x11e: {  	s0 =	simm.s32 $0x6  }
0x11f: {  	s3 =	simm.s32 $0x0;
	[sflag:s0] =	ssyncpa.u1 $0x1  }
0x120: {  	s0 =	simm.s32 $0xC0  }
0x121: {  	v0 =	vld.msk [tilespmem:s0+$0x0], $0x1;
	_ =	sdelay $0x4  }
0x122: {  	(v2sf) =	vpush v0, $0x0;
	_ =	sdelay $0xe  }
0x123: {  	s2 =	sadd.s32 $0xFFFFFFFF, s2;
	s4 =	spop (v2sf)  }
0x124: {  	p1 =	sne.s32 s2, $0x0;
	p0 =	sgt.u32 s4, $0x27FF  }
.Ltmp16:
0x125: {  	s5 =	sshrl.u32 @!p0 s4, $0x3;
	(pc) =	sbr.rel @!p1 .LBB2_23-.Ltmp16, $4  }
0x126: {  	s0 =	simm.s32 $0xE0;
	s4 =	sand.u32 @!p0 $0x7, s4;
	s5 =	sadd.s32 @!p0 s1, s5  }
0x127: {  	[hbm4b:s5+s4] =	stream.linear.scatter @!p0 [tilespmem:s0], [sflag:$0x5], $0x1, $0x38;
	[tilespmem:$0xD410] =	vst v63  }
0x128: {  	s5 =	simm.s32 $0x0  }
0x129: {  	s4 =	simm.s32 $0xC1;
	s5 =	simm.s32 @!p0 $0x4  }
.LBB2_22:
0x12a: {  	v0 =	vld.msk [tilespmem:s4+$0x0], $0x1;
	s2 =	sadd.s32 $0xFFFFFFFF, s2;
	s3 =	sadd.s32 s3, s5  }
0x12b: {  	p0 =	sne.s32 s2, $0x0;
	_ =	sdelay $0x3  }
0x12c: {  	(v2sf) =	vpush v0, $0x0;
	_ =	sdelay $0xe  }
.Ltmp17:
0x12d: {  	s6 =	spop (v2sf);
	(pc) =	sbr.rel @p0 .LBB2_22-.Ltmp17, $4  }
0x12e: {  	s5 =	simm.s32 $0x0;
	p1 =	sgt.u32 s6, $0x27FF  }
0x12f: {  	s0 =	sadd.s32 $0x1, s0;
	s5 =	simm.s32 @!p1 $0x4;
	s7 =	sshrl.u32 @!p1 s6, $0x3  }
0x130: {  	s4 =	sadd.s32 $0x1, s4;
	s6 =	sand.u32 @!p1 $0x7, s6;
	s7 =	sadd.s32 @!p1 s1, s7  }
0x131: {  	[hbm4b:s7+s6] =	stream.linear.scatter @!p1 [tilespmem:s0], [sflag:$0x5], $0x1, $0x38;
	[tilespmem:$0xD410] =	vst v63  }
.LBB2_23:
0x132: {  	s0 =	sadd.s32 s3, s5  }
0x133: {  	s3 =	sshrl.u32 s0, $0x2  }
.LBB2_24:
0x134: {  	s0 =	simm.s32 $0x5  }
0x135: {  	_ =	swait.ge [sflag:s0], s3  }
0x136: {  	s1 =	ssub.s32 $0x0, s3;
	[sflag:s0] =	ssyncset.done $0x0  }
0x137: {  	[sflag:s0] =	ssyncadd.s32 s1  }
0x138: {  	[sflag:s0] =	ssyncpa.u1 $0x1  }
0x139: {  	s29 =	simm.s32 $0x1;
	_ =	sfence  }
0x13a: {  	s30 =	simm.s32 $0x2;
	[sflag:s29] =	ssyncpa.u1 $0x1  }
0x13b: {  	[sflag:s30] =	ssyncpa.u1 $0x1  }
0x13c: {  	_ =	strace $0x90000047  }
0x13d: {  	[bflag:$0x2] =	sbarrier.arrive $0xFFFF  }
0x13e: {  	s31 =	rddreg [dreg:$0x1]  }
0x13f: {  	s0 =	sadd.s32 $0x100000, s31  }
0x140: {  	[sflag:s0] =	ssyncadd.tile.s32 $0x1;
	_ =	shalt  }
.Lfunc_end2:
_tile_overlayer_lowered:
.L_overlay_start_2:
0x141: {  	(tag) =	ssettag $0x2  }
0x142: {  	s0 =	rddreg [dreg:$0x0];
	s2 =	stileid.u32  }
0x143: {  	s1 =	rddreg [dreg:$0x1];
	p0 =	sne.s32 s2, $0x0  }
0x144: {  	s3 =	rddreg [dreg:$0x2];
	[bflag:$0x3] =	sbarrier.arrive $0xFFFF;
	s2 =	simm.s32 @!p0 $0x1C01  }
0x145: {  	[timem:s3], [sflag:s2] =	dma.local @!p0 [hbm:s0], s1  }
0x146: {  	s0 =	simm.s32 @!p0 $0x1  }
0x147: {  	_ =	swait.ge @!p0 [sflag:s0], s1  }
0x148: {  	s1 =	ssub.s32 @!p0 $0x0, s1;
	[sflag:s0] =	ssyncset.done @!p0 $0x0  }
0x149: {  	[sflag:s0] =	ssyncadd.s32 @!p0 s1  }
0x14a: {  	[bflag:$0x3] =	sbarrier.arrive $0xFFFF  }
0x14b: {  	_ =	shalt  }

</sc_bundles>
